<compile_context>
chip_gen: v7x
topology: tpu7x:2x2x1
jax: 0.10.2.dev20260603
libtpu: 0.0.44.dev20260713+nightly
codegen_flags: <defaults>
</compile_context>

<pallas_src>
import functools

import numpy as np
import jax
import jax.numpy as jnp
from jax import lax
from jax.experimental import pallas as pl
from jax.experimental.pallas import tpu as pltpu
from jax.experimental.pallas import tpu_sc as plsc

LANE = 128
NSC = 2
NTILE = 16
NW = NSC * NTILE
NBF = 78
XBASE = NW * NBF * LANE
NXW = 4
NP = 10240
PER_T = NP // NTILE
ZR = 128
BR = 1000


def _deg_body(ei_hbm, outdeg_hbm, itix, ones_v, zvec, deg_sh, sem_l, sem_s):
    cid = lax.axis_index("c")
    sid = lax.axis_index("s")
    wid = cid * NTILE + sid
    base = wid * NBF * LANE
    zero = jnp.zeros((16,), jnp.float32)
    one = jnp.ones((16,), jnp.float32)
    for i in range(PER_T // 16):
        zvec[pl.ds(i * 16, 16)] = zero
    for i in range(LANE // 16):
        ones_v[pl.ds(i * 16, 16)] = one

    def load(j, c):
        off = pl.multiple_of(base + j * LANE, LANE)
        pltpu.async_copy(ei_hbm.at[pl.ds(0, 2), pl.ds(off, LANE)],
                         itix.at[j], sem_l)
        return c

    lax.fori_loop(0, NBF, load, 0)

    @pl.when(wid < NXW)
    def _():
        pltpu.async_copy(
            ei_hbm.at[pl.ds(0, 2), pl.ds(XBASE + wid * LANE, LANE)],
            itix.at[NBF], sem_l)

    pltpu.sync_copy(zvec, deg_sh.at[pl.ds(sid * PER_T, PER_T)])

    def load_drain(j, c):
        pltpu.make_async_copy(ei_hbm.at[pl.ds(0, 2), pl.ds(base, LANE)],
                              itix.at[0], sem_l).wait()
        return c

    lax.fori_loop(0, NBF, load_drain, 0)

    @pl.when(wid < NXW)
    def _():
        pltpu.make_async_copy(ei_hbm.at[pl.ds(0, 2), pl.ds(base, LANE)],
                              itix.at[0], sem_l).wait()

    plsc.subcore_barrier()

    def issue(j, c):
        pltpu.async_copy(ones_v, deg_sh.at[itix.at[j, 1]], sem_s, add=True)
        return c

    lax.fori_loop(0, NBF, issue, 0)

    @pl.when(wid < NXW)
    def _():
        pltpu.async_copy(ones_v, deg_sh.at[itix.at[NBF, 1]], sem_s,
                         add=True)

    def drain(j, c):
        pltpu.make_async_copy(ones_v, deg_sh.at[itix.at[0, 1]],
                              sem_s).wait()
        return c

    lax.fori_loop(0, NBF, drain, 0)

    @pl.when(wid < NXW)
    def _():
        pltpu.make_async_copy(ones_v, deg_sh.at[itix.at[0, 1]],
                              sem_s).wait()

    plsc.subcore_barrier()

    @pl.when(sid == 0)
    def _():
        pltpu.sync_copy(deg_sh, outdeg_hbm.at[cid])


def _scat_body(g_hbm, ei_hbm, out_hbm,
               s0, s1, s2, s3, bufa, bufb, s_sh,
               sem_a, sem_b, sem_l0, sem_l1, sem_l2, sem_l3):
    cid = lax.axis_index("c")
    sid = lax.axis_index("s")
    wid = cid * NTILE + sid
    base = wid * NBF * LANE
    zero = jnp.zeros((16,), jnp.float32)

    def tile_at(b):
        off = pl.multiple_of(base + jnp.minimum(b, NBF - 1) * LANE, LANE)
        return ei_hbm.at[pl.ds(0, 2), pl.ds(off, LANE)]

    pltpu.async_copy(tile_at(0), s0, sem_l0)
    pltpu.async_copy(tile_at(1), s1, sem_l1)
    pltpu.async_copy(tile_at(2), s2, sem_l2)
    pltpu.async_copy(tile_at(3), s3, sem_l3)

    def zrow(i, c):
        for k in range(LANE // 16):
            bufa[i, pl.ds(k * 16, 16)] = zero
        return c

    lax.fori_loop(0, ZR, zrow, 0)
    for k in range(PER_T // ZR):
        pltpu.sync_copy(bufa, s_sh.at[pl.ds(sid * PER_T + k * ZR, ZR)])

    pltpu.make_async_copy(tile_at(0), s0, sem_l0).wait()
    pltpu.async_copy(g_hbm.at[s0.at[0]], bufa, sem_a)
    pltpu.make_async_copy(tile_at(1), s1, sem_l1).wait()
    pltpu.async_copy(g_hbm.at[s1.at[0]], bufb, sem_b)
    plsc.subcore_barrier()

    def body(j, c):
        q = 4 * j
        pltpu.make_async_copy(g_hbm.at[s0.at[0]], bufa, sem_a).wait()
        pltpu.sync_copy(bufa, s_sh.at[s0.at[1]], add=True)
        pltpu.make_async_copy(tile_at(q + 2), s2, sem_l2).wait()
        pltpu.async_copy(g_hbm.at[s2.at[0]], bufa, sem_a)
        pltpu.make_async_copy(g_hbm.at[s1.at[0]], bufb, sem_b).wait()
        pltpu.sync_copy(bufb, s_sh.at[s1.at[1]], add=True)
        pltpu.make_async_copy(tile_at(q + 3), s3, sem_l3).wait()
        pltpu.async_copy(g_hbm.at[s3.at[0]], bufb, sem_b)
        pltpu.async_copy(tile_at(q + 4), s0, sem_l0)
        pltpu.async_copy(tile_at(q + 5), s1, sem_l1)
        pltpu.make_async_copy(g_hbm.at[s2.at[0]], bufa, sem_a).wait()
        pltpu.sync_copy(bufa, s_sh.at[s2.at[1]], add=True)
        pltpu.make_async_copy(tile_at(q + 4), s0, sem_l0).wait()
        pltpu.async_copy(g_hbm.at[s0.at[0]], bufa, sem_a)
        pltpu.make_async_copy(g_hbm.at[s3.at[0]], bufb, sem_b).wait()
        pltpu.sync_copy(bufb, s_sh.at[s3.at[1]], add=True)
        pltpu.make_async_copy(tile_at(q + 5), s1, sem_l1).wait()
        pltpu.async_copy(g_hbm.at[s1.at[0]], bufb, sem_b)
        pltpu.async_copy(tile_at(q + 6), s2, sem_l2)
        pltpu.async_copy(tile_at(q + 7), s3, sem_l3)
        return c

    lax.fori_loop(0, (NBF - 2) // 4, body, 0)
    pltpu.make_async_copy(g_hbm.at[s0.at[0]], bufa, sem_a).wait()
    pltpu.sync_copy(bufa, s_sh.at[s0.at[1]], add=True)
    pltpu.make_async_copy(g_hbm.at[s1.at[0]], bufb, sem_b).wait()
    pltpu.sync_copy(bufb, s_sh.at[s1.at[1]], add=True)
    pltpu.make_async_copy(tile_at(0), s2, sem_l2).wait()
    pltpu.make_async_copy(tile_at(0), s3, sem_l3).wait()

    @pl.when(wid < NXW)
    def _():
        pltpu.sync_copy(
            ei_hbm.at[pl.ds(0, 2), pl.ds(XBASE + wid * LANE, LANE)], s2)
        pltpu.sync_copy(g_hbm.at[s2.at[0]], bufa)
        pltpu.sync_copy(bufa, s_sh.at[s2.at[1]], add=True)

    plsc.subcore_barrier()
    pltpu.sync_copy(s_sh.at[pl.ds(sid * PER_T, PER_T)],
                    out_hbm.at[cid, pl.ds(sid * PER_T, PER_T)])


def _g_body(x_ref, w_ref, p0_ref, p1_ref, o_ref):
    dinv = lax.rsqrt(p0_ref[...] + p1_ref[...] + 1.0)
    h = lax.dot_general(x_ref[...], w_ref[...], (((1,), (1,)), ((), ())),
                        preferred_element_type=jnp.float32)
    o_ref[...] = h * dinv


def _fin_body(x_ref, s_ref, g_ref, p0_ref, p1_ref, b_ref, a_ref, o_ref):
    dinv = lax.rsqrt(p0_ref[...] + p1_ref[...] + 1.0)
    a = a_ref[0, 0]
    aggr = dinv * (s_ref[0] + s_ref[1] + g_ref[...]) + b_ref[...]
    o_ref[...] = a * x_ref[...] + (1.0 - a) * aggr


def kernel(node_features, edge_index, W, b, alpha):
    x = node_features
    n, d = x.shape

    mesh = plsc.VectorSubcoreMesh(core_axis_name="c", subcore_axis_name="s")

    deg_parts = pl.kernel(
        _deg_body,
        out_type=jax.ShapeDtypeStruct((NSC, NP), jnp.float32),
        mesh=mesh,
        scratch_types=[
            pltpu.VMEM((NBF + 1, 2, LANE), jnp.int32),
            pltpu.VMEM((LANE,), jnp.float32),
            pltpu.VMEM((PER_T,), jnp.float32),
            pltpu.VMEM_SHARED((NP,), jnp.float32),
            pltpu.SemaphoreType.DMA,
            pltpu.SemaphoreType.DMA,
        ],
    )(edge_index)

    p0 = deg_parts[0, :n, None]
    p1 = deg_parts[1, :n, None]

    g = pl.pallas_call(
        _g_body,
        grid=(n // BR,),
        in_specs=[
            pl.BlockSpec((BR, d), lambda i: (i, 0)),
            pl.BlockSpec((d, d), lambda i: (0, 0)),
            pl.BlockSpec((BR, 1), lambda i: (i, 0)),
            pl.BlockSpec((BR, 1), lambda i: (i, 0)),
        ],
        out_specs=pl.BlockSpec((BR, d), lambda i: (i, 0)),
        out_shape=jax.ShapeDtypeStruct((n, d), jnp.float32),
    )(x, W, p0, p1)

    s_parts = pl.kernel(
        _scat_body,
        out_type=jax.ShapeDtypeStruct((NSC, NP, d), jnp.float32),
        mesh=mesh,
        scratch_types=[
            pltpu.VMEM((2, LANE), jnp.int32),
            pltpu.VMEM((2, LANE), jnp.int32),
            pltpu.VMEM((2, LANE), jnp.int32),
            pltpu.VMEM((2, LANE), jnp.int32),
            pltpu.VMEM((LANE, d), jnp.float32),
            pltpu.VMEM((LANE, d), jnp.float32),
            pltpu.VMEM_SHARED((NP, d), jnp.float32),
            pltpu.SemaphoreType.DMA,
            pltpu.SemaphoreType.DMA,
            pltpu.SemaphoreType.DMA,
            pltpu.SemaphoreType.DMA,
            pltpu.SemaphoreType.DMA,
            pltpu.SemaphoreType.DMA,
        ],
    )(g, edge_index)

    out = pl.pallas_call(
        _fin_body,
        grid=(n // BR,),
        in_specs=[
            pl.BlockSpec((BR, d), lambda i: (i, 0)),
            pl.BlockSpec((NSC, BR, d), lambda i: (0, i, 0)),
            pl.BlockSpec((BR, d), lambda i: (i, 0)),
            pl.BlockSpec((BR, 1), lambda i: (i, 0)),
            pl.BlockSpec((BR, 1), lambda i: (i, 0)),
            pl.BlockSpec((1, d), lambda i: (0, 0)),
            pl.BlockSpec((1, 1), lambda i: (0, 0)),
        ],
        out_specs=pl.BlockSpec((BR, d), lambda i: (i, 0)),
        out_shape=jax.ShapeDtypeStruct((n, d), jnp.float32),
    )(x, s_parts, g, p0, p1, b.reshape(1, d), alpha.reshape(1, 1))
    return out

# --- scband reference (transcript-rebuilt; emitter-appended) ---
"""Pipeline reference for scband-gcnconv-28080496181834 (READ-ONLY COPY).

The authoritative reference and input builder live on the scoring server;
editing this copy changes nothing except your own understanding.
"""

import jax, jax.numpy as jnp
import numpy as np

N_NODES = 10000
D = 128
N_EDGES = 320000


def setup_inputs(seed: int = 0) -> dict:
    key = jax.random.key(seed)
    k1, k2, k3 = jax.random.split(key, 3)
    node_features = jax.random.normal(k1, (N_NODES, D), dtype=jnp.float32)
    edge_index = jax.random.randint(k2, (2, N_EDGES), 0, N_NODES, dtype=jnp.int32)
    # GCNConv learned params: lin weight (out, in) applied as x @ W.T, bias added after aggregation
    W = jax.random.normal(k3, (D, D), dtype=jnp.float32) * (1.0 / np.sqrt(D))
    b = jnp.zeros((D,), dtype=jnp.float32)
    # residual mixing parameter (initialized to 0.5 in the module)
    alpha = jnp.array(0.5, dtype=jnp.float32)
    return {"node_features": node_features, "edge_index": edge_index, "W": W, "b": b, "alpha": alpha}


def reference(node_features, edge_index, W, b, alpha):
    # GCN (num_layers=1) == a single GCNConv; act/norm are NOT applied to the last
    # layer in torch_geometric's BasicGNN, so forward = gcn_conv -> dropout(eval=id) -> residual.
    N = node_features.shape[0]
    src = edge_index[0]
    dst = edge_index[1]
    # add self loops (GCNConv default add_self_loops=True)
    loop = jnp.arange(N, dtype=src.dtype)
    src2 = jnp.concatenate([src, loop])
    dst2 = jnp.concatenate([dst, loop])
    ones = jnp.ones(src2.shape[0], dtype=node_features.dtype)
    deg = jnp.zeros((N,), dtype=node_features.dtype).at[dst2].add(ones)
    dinv = jnp.where(deg > 0, jax.lax.rsqrt(deg), 0.0)
    norm = dinv[src2] * dinv[dst2]
    # linear transform first (no bias in lin)
    h = node_features @ W.T
    # gather messages from src, scale by symmetric norm, scatter-add into dst
    msg = h[src2] * norm[:, None]
    aggr = jnp.zeros_like(h).at[dst2].add(msg)
    out = aggr + b
    # eval-mode dropout = identity; residual mix
    return alpha * node_features + (1.0 - alpha) * out

if __name__ == "__main__":
    import jax
    _d = setup_inputs()
    print(jax.jit(kernel)(*tuple(_d.values())))

</pallas_src>

<mosaic_0001>
#map = affine_map<(d0, d1) -> (0, 0)>
#map1 = affine_map<(d0, d1) -> (0, 0, 0)>
module attributes {stable_mosaic.version = 14 : i64} {
  func.func @_scat_body(%arg0: i32, %arg1: i32, %arg2: memref<10000x128xf32, #tpu.memory_space<hbm>>, %arg3: memref<2x320000xi32, #tpu.memory_space<hbm>>, %arg4: memref<2x10240x128xf32, #tpu.memory_space<hbm>>, %arg5: memref<2x128xi32, #tpu.memory_space<vmem>>, %arg6: memref<2x128xi32, #tpu.memory_space<vmem>>, %arg7: memref<2x128xi32, #tpu.memory_space<vmem>>, %arg8: memref<2x128xi32, #tpu.memory_space<vmem>>, %arg9: memref<128x128xf32, #tpu.memory_space<vmem>>, %arg10: memref<128x128xf32, #tpu.memory_space<vmem>>, %arg11: memref<10240x128xf32, #tpu.memory_space<vmem_shared>>, %arg12: memref<!tpu.dma_semaphore, #tpu.memory_space<semaphore_mem>>, %arg13: memref<!tpu.dma_semaphore, #tpu.memory_space<semaphore_mem>>, %arg14: memref<!tpu.dma_semaphore, #tpu.memory_space<semaphore_mem>>, %arg15: memref<!tpu.dma_semaphore, #tpu.memory_space<semaphore_mem>>, %arg16: memref<!tpu.dma_semaphore, #tpu.memory_space<semaphore_mem>>, %arg17: memref<!tpu.dma_semaphore, #tpu.memory_space<semaphore_mem>>) attributes {dimension_semantics = [#tpu.dimension_semantics<core_parallel>, #tpu.dimension_semantics<subcore_parallel>], iteration_bounds = array<i64: 2, 16>, scalar_prefetch = 0 : i64, scratch_operands = 13 : i64, tpu.core_type = #tpu.core_type<sc_vector_subcore>, window_params = [{transform_indices = #map}, {transform_indices = #map}, {transform_indices = #map1}]} {
    %mul3A = arith.constant 16 : i32
    %mul3A_0 = arith.muli %arg0, %mul3A : i32
    %add3A = arith.addi %mul3A_0, %arg1 : i32
    %mul3A_1 = arith.constant 78 : i32
    %mul3A_2 = arith.muli %add3A, %mul3A_1 : i32
    %mul3A_3 = arith.constant 128 : i32
    %mul3A_4 = arith.muli %mul3A_2, %mul3A_3 : i32
    %broadcast_in_dim3A = arith.constant 0.000000e+00 : f32
    %broadcast_in_dim3A_5 = vector.broadcast %broadcast_in_dim3A : f32 to vector<16xf32>
    %min3A = arith.constant 0 : i32
    %min3A_6 = arith.constant 77 : i32
    %min3A_7 = arith.minsi %min3A, %min3A_6 : i32
    %mul3A_8 = arith.constant 128 : i32
    %mul3A_9 = arith.muli %min3A_7, %mul3A_8 : i32
    %add3A_10 = arith.addi %mul3A_4, %mul3A_9 : i32
    %multiple_of3A = tpu.assume_multiple %add3A_10, 128 : i32
    %dma_start3A = arith.constant 0 : i32
    %dma_start3A_11 = tpu.memref_slice %arg3[%dma_start3A, %multiple_of3A] : memref<2x320000xi32, #tpu.memory_space<hbm>> -> memref<2x128xi32, #tpu.memory_space<hbm>>
    %dma_start3A_12 = arith.constant 0 : i32
    %dma_start3A_13 = tpu.memref_slice %arg3[%dma_start3A_12, %multiple_of3A] : memref<2x320000xi32, #tpu.memory_space<hbm>> -> memref<2x128xi32, #tpu.memory_space<hbm>>
    tpu.enqueue_dma source(%dma_start3A_13 : memref<2x128xi32, #tpu.memory_space<hbm>>) target(%arg5 : memref<2x128xi32, #tpu.memory_space<vmem>>) target_semaphore(%arg14 : memref<!tpu.dma_semaphore, #tpu.memory_space<semaphore_mem>>)
    %min3A_14 = arith.constant 1 : i32
    %min3A_15 = arith.constant 77 : i32
    %min3A_16 = arith.minsi %min3A_14, %min3A_15 : i32
    %mul3A_17 = arith.constant 128 : i32
    %mul3A_18 = arith.muli %min3A_16, %mul3A_17 : i32
    %add3A_19 = arith.addi %mul3A_4, %mul3A_18 : i32
    %multiple_of3A_20 = tpu.assume_multiple %add3A_19, 128 : i32
    %dma_start3A_21 = arith.constant 0 : i32
    %dma_start3A_22 = tpu.memref_slice %arg3[%dma_start3A_21, %multiple_of3A_20] : memref<2x320000xi32, #tpu.memory_space<hbm>> -> memref<2x128xi32, #tpu.memory_space<hbm>>
    %dma_start3A_23 = arith.constant 0 : i32
    %dma_start3A_24 = tpu.memref_slice %arg3[%dma_start3A_23, %multiple_of3A_20] : memref<2x320000xi32, #tpu.memory_space<hbm>> -> memref<2x128xi32, #tpu.memory_space<hbm>>
    tpu.enqueue_dma source(%dma_start3A_24 : memref<2x128xi32, #tpu.memory_space<hbm>>) target(%arg6 : memref<2x128xi32, #tpu.memory_space<vmem>>) target_semaphore(%arg15 : memref<!tpu.dma_semaphore, #tpu.memory_space<semaphore_mem>>)
    %min3A_25 = arith.constant 2 : i32
    %min3A_26 = arith.constant 77 : i32
    %min3A_27 = arith.minsi %min3A_25, %min3A_26 : i32
    %mul3A_28 = arith.constant 128 : i32
    %mul3A_29 = arith.muli %min3A_27, %mul3A_28 : i32
    %add3A_30 = arith.addi %mul3A_4, %mul3A_29 : i32
    %multiple_of3A_31 = tpu.assume_multiple %add3A_30, 128 : i32
    %dma_start3A_32 = arith.constant 0 : i32
    %dma_start3A_33 = tpu.memref_slice %arg3[%dma_start3A_32, %multiple_of3A_31] : memref<2x320000xi32, #tpu.memory_space<hbm>> -> memref<2x128xi32, #tpu.memory_space<hbm>>
    %dma_start3A_34 = arith.constant 0 : i32
    %dma_start3A_35 = tpu.memref_slice %arg3[%dma_start3A_34, %multiple_of3A_31] : memref<2x320000xi32, #tpu.memory_space<hbm>> -> memref<2x128xi32, #tpu.memory_space<hbm>>
    tpu.enqueue_dma source(%dma_start3A_35 : memref<2x128xi32, #tpu.memory_space<hbm>>) target(%arg7 : memref<2x128xi32, #tpu.memory_space<vmem>>) target_semaphore(%arg16 : memref<!tpu.dma_semaphore, #tpu.memory_space<semaphore_mem>>)
    %min3A_36 = arith.constant 3 : i32
    %min3A_37 = arith.constant 77 : i32
    %min3A_38 = arith.minsi %min3A_36, %min3A_37 : i32
    %mul3A_39 = arith.constant 128 : i32
    %mul3A_40 = arith.muli %min3A_38, %mul3A_39 : i32
    %add3A_41 = arith.addi %mul3A_4, %mul3A_40 : i32
    %multiple_of3A_42 = tpu.assume_multiple %add3A_41, 128 : i32
    %dma_start3A_43 = arith.constant 0 : i32
    %dma_start3A_44 = tpu.memref_slice %arg3[%dma_start3A_43, %multiple_of3A_42] : memref<2x320000xi32, #tpu.memory_space<hbm>> -> memref<2x128xi32, #tpu.memory_space<hbm>>
    %dma_start3A_45 = arith.constant 0 : i32
    %dma_start3A_46 = tpu.memref_slice %arg3[%dma_start3A_45, %multiple_of3A_42] : memref<2x320000xi32, #tpu.memory_space<hbm>> -> memref<2x128xi32, #tpu.memory_space<hbm>>
    tpu.enqueue_dma source(%dma_start3A_46 : memref<2x128xi32, #tpu.memory_space<hbm>>) target(%arg8 : memref<2x128xi32, #tpu.memory_space<vmem>>) target_semaphore(%arg17 : memref<!tpu.dma_semaphore, #tpu.memory_space<semaphore_mem>>)
    %scan3A = arith.constant 0 : i32
    %scan3A_47 = arith.constant 0 : i32
    %scan3A_48 = arith.constant 128 : i32
    %scan3A_49 = arith.addi %scan3A_47, %scan3A_48 : i32
    %scan3A_50 = arith.constant 1 : i32
    scf.for %scan3A_157 = %scan3A_47 to %scan3A_49 step %scan3A_50  : i32 {
      %swap3A = arith.index_cast %scan3A_157 : i32 to index
      %swap3A_158 = arith.constant 0 : index
      %swap3A_159 = tpu.vector_load %arg9[%swap3A, %swap3A_158] {strides = array<i32>} : memref<128x128xf32, #tpu.memory_space<vmem>>, vector<1x16xf32>,
      %swap3A_160 = vector.shape_cast %swap3A_159 : vector<1x16xf32> to vector<16xf32>
      %swap3A_161 = vector.shape_cast %broadcast_in_dim3A_5 : vector<16xf32> to vector<1x16xf32>
      tpu.vector_store %arg9[%swap3A, %swap3A_158], %swap3A_161 {strides = array<i32>} : memref<128x128xf32, #tpu.memory_space<vmem>>, vector<1x16xf32>,
      %swap3A_162 = arith.index_cast %scan3A_157 : i32 to index
      %swap3A_163 = arith.constant 16 : index
      %swap3A_164 = tpu.vector_load %arg9[%swap3A_162, %swap3A_163] {strides = array<i32>} : memref<128x128xf32, #tpu.memory_space<vmem>>, vector<1x16xf32>,
      %swap3A_165 = vector.shape_cast %swap3A_164 : vector<1x16xf32> to vector<16xf32>
      %swap3A_166 = vector.shape_cast %broadcast_in_dim3A_5 : vector<16xf32> to vector<1x16xf32>
      tpu.vector_store %arg9[%swap3A_162, %swap3A_163], %swap3A_166 {strides = array<i32>} : memref<128x128xf32, #tpu.memory_space<vmem>>, vector<1x16xf32>,
      %swap3A_167 = arith.index_cast %scan3A_157 : i32 to index
      %swap3A_168 = arith.constant 32 : index
      %swap3A_169 = tpu.vector_load %arg9[%swap3A_167, %swap3A_168] {strides = array<i32>} : memref<128x128xf32, #tpu.memory_space<vmem>>, vector<1x16xf32>,
      %swap3A_170 = vector.shape_cast %swap3A_169 : vector<1x16xf32> to vector<16xf32>
      %swap3A_171 = vector.shape_cast %broadcast_in_dim3A_5 : vector<16xf32> to vector<1x16xf32>
      tpu.vector_store %arg9[%swap3A_167, %swap3A_168], %swap3A_171 {strides = array<i32>} : memref<128x128xf32, #tpu.memory_space<vmem>>, vector<1x16xf32>,
      %swap3A_172 = arith.index_cast %scan3A_157 : i32 to index
      %swap3A_173 = arith.constant 48 : index
      %swap3A_174 = tpu.vector_load %arg9[%swap3A_172, %swap3A_173] {strides = array<i32>} : memref<128x128xf32, #tpu.memory_space<vmem>>, vector<1x16xf32>,
      %swap3A_175 = vector.shape_cast %swap3A_174 : vector<1x16xf32> to vector<16xf32>
      %swap3A_176 = vector.shape_cast %broadcast_in_dim3A_5 : vector<16xf32> to vector<1x16xf32>
      tpu.vector_store %arg9[%swap3A_172, %swap3A_173], %swap3A_176 {strides = array<i32>} : memref<128x128xf32, #tpu.memory_space<vmem>>, vector<1x16xf32>,
      %swap3A_177 = arith.index_cast %scan3A_157 : i32 to index
      %swap3A_178 = arith.constant 64 : index
      %swap3A_179 = tpu.vector_load %arg9[%swap3A_177, %swap3A_178] {strides = array<i32>} : memref<128x128xf32, #tpu.memory_space<vmem>>, vector<1x16xf32>,
      %swap3A_180 = vector.shape_cast %swap3A_179 : vector<1x16xf32> to vector<16xf32>
      %swap3A_181 = vector.shape_cast %broadcast_in_dim3A_5 : vector<16xf32> to vector<1x16xf32>
      tpu.vector_store %arg9[%swap3A_177, %swap3A_178], %swap3A_181 {strides = array<i32>} : memref<128x128xf32, #tpu.memory_space<vmem>>, vector<1x16xf32>,
      %swap3A_182 = arith.index_cast %scan3A_157 : i32 to index
      %swap3A_183 = arith.constant 80 : index
      %swap3A_184 = tpu.vector_load %arg9[%swap3A_182, %swap3A_183] {strides = array<i32>} : memref<128x128xf32, #tpu.memory_space<vmem>>, vector<1x16xf32>,
      %swap3A_185 = vector.shape_cast %swap3A_184 : vector<1x16xf32> to vector<16xf32>
      %swap3A_186 = vector.shape_cast %broadcast_in_dim3A_5 : vector<16xf32> to vector<1x16xf32>
      tpu.vector_store %arg9[%swap3A_182, %swap3A_183], %swap3A_186 {strides = array<i32>} : memref<128x128xf32, #tpu.memory_space<vmem>>, vector<1x16xf32>,
      %swap3A_187 = arith.index_cast %scan3A_157 : i32 to index
      %swap3A_188 = arith.constant 96 : index
      %swap3A_189 = tpu.vector_load %arg9[%swap3A_187, %swap3A_188] {strides = array<i32>} : memref<128x128xf32, #tpu.memory_space<vmem>>, vector<1x16xf32>,
      %swap3A_190 = vector.shape_cast %swap3A_189 : vector<1x16xf32> to vector<16xf32>
      %swap3A_191 = vector.shape_cast %broadcast_in_dim3A_5 : vector<16xf32> to vector<1x16xf32>
      tpu.vector_store %arg9[%swap3A_187, %swap3A_188], %swap3A_191 {strides = array<i32>} : memref<128x128xf32, #tpu.memory_space<vmem>>, vector<1x16xf32>,
      %swap3A_192 = arith.index_cast %scan3A_157 : i32 to index
      %swap3A_193 = arith.constant 112 : index
      %swap3A_194 = tpu.vector_load %arg9[%swap3A_192, %swap3A_193] {strides = array<i32>} : memref<128x128xf32, #tpu.memory_space<vmem>>, vector<1x16xf32>,
      %swap3A_195 = vector.shape_cast %swap3A_194 : vector<1x16xf32> to vector<16xf32>
      %swap3A_196 = vector.shape_cast %broadcast_in_dim3A_5 : vector<16xf32> to vector<1x16xf32>
      tpu.vector_store %arg9[%swap3A_192, %swap3A_193], %swap3A_196 {strides = array<i32>} : memref<128x128xf32, #tpu.memory_space<vmem>>, vector<1x16xf32>,
    }
    %scan3A_51 = arith.constant 128 : i32
    %mul3A_52 = arith.constant 640 : i32
    %mul3A_53 = arith.muli %arg1, %mul3A_52 : i32
    %add3A_54 = arith.constant 0 : i32
    %add3A_55 = arith.addi %mul3A_53, %add3A_54 : i32
    "tpu.region"() ({
      %run_scoped3A_157 = tpu.sem_alloc : memref<!tpu.dma_semaphore, #tpu.memory_space<semaphore_mem>>
      %dma_start3A_158 = arith.constant 0 : i32
      %dma_start3A_159 = tpu.memref_slice %arg11[%add3A_55, %dma_start3A_158] : memref<10240x128xf32, #tpu.memory_space<vmem_shared>> -> memref<128x128xf32, #tpu.memory_space<vmem_shared>>
      %dma_start3A_160 = arith.constant 0 : i32
      %dma_start3A_161 = tpu.memref_slice %arg11[%add3A_55, %dma_start3A_160] : memref<10240x128xf32, #tpu.memory_space<vmem_shared>> -> memref<128x128xf32, #tpu.memory_space<vmem_shared>>
      tpu.enqueue_dma source(%arg9 : memref<128x128xf32, #tpu.memory_space<vmem>>) target(%dma_start3A_161 : memref<128x128xf32, #tpu.memory_space<vmem_shared>>) target_semaphore(%run_scoped3A_157 : memref<!tpu.dma_semaphore, #tpu.memory_space<semaphore_mem>>)
      %dma_wait3A_162 = arith.constant 0 : i32
      %dma_wait3A_163 = tpu.memref_slice %arg11[%add3A_55, %dma_wait3A_162] : memref<10240x128xf32, #tpu.memory_space<vmem_shared>> -> memref<128x128xf32, #tpu.memory_space<vmem_shared>>
      %dma_wait3A_164 = arith.constant 0 : i32
      %dma_wait3A_165 = tpu.memref_slice %arg11[%add3A_55, %dma_wait3A_164] : memref<10240x128xf32, #tpu.memory_space<vmem_shared>> -> memref<128x128xf32, #tpu.memory_space<vmem_shared>>
      tpu.wait_dma2 semaphore(%run_scoped3A_157 : memref<!tpu.dma_semaphore, #tpu.memory_space<semaphore_mem>>) src(%arg9 : memref<128x128xf32, #tpu.memory_space<vmem>>) dst(%dma_wait3A_165 : memref<128x128xf32, #tpu.memory_space<vmem_shared>>)
      tpu.yield
    }) : () -> ()
    %mul3A_56 = arith.constant 640 : i32
    %mul3A_57 = arith.muli %arg1, %mul3A_56 : i32
    %add3A_58 = arith.constant 128 : i32
    %add3A_59 = arith.addi %mul3A_57, %add3A_58 : i32
    "tpu.region"() ({
      %run_scoped3A_157 = tpu.sem_alloc : memref<!tpu.dma_semaphore, #tpu.memory_space<semaphore_mem>>
      %dma_start3A_158 = arith.constant 0 : i32
      %dma_start3A_159 = tpu.memref_slice %arg11[%add3A_59, %dma_start3A_158] : memref<10240x128xf32, #tpu.memory_space<vmem_shared>> -> memref<128x128xf32, #tpu.memory_space<vmem_shared>>
      %dma_start3A_160 = arith.constant 0 : i32
      %dma_start3A_161 = tpu.memref_slice %arg11[%add3A_59, %dma_start3A_160] : memref<10240x128xf32, #tpu.memory_space<vmem_shared>> -> memref<128x128xf32, #tpu.memory_space<vmem_shared>>
      tpu.enqueue_dma source(%arg9 : memref<128x128xf32, #tpu.memory_space<vmem>>) target(%dma_start3A_161 : memref<128x128xf32, #tpu.memory_space<vmem_shared>>) target_semaphore(%run_scoped3A_157 : memref<!tpu.dma_semaphore, #tpu.memory_space<semaphore_mem>>)
      %dma_wait3A_162 = arith.constant 0 : i32
      %dma_wait3A_163 = tpu.memref_slice %arg11[%add3A_59, %dma_wait3A_162] : memref<10240x128xf32, #tpu.memory_space<vmem_shared>> -> memref<128x128xf32, #tpu.memory_space<vmem_shared>>
      %dma_wait3A_164 = arith.constant 0 : i32
      %dma_wait3A_165 = tpu.memref_slice %arg11[%add3A_59, %dma_wait3A_164] : memref<10240x128xf32, #tpu.memory_space<vmem_shared>> -> memref<128x128xf32, #tpu.memory_space<vmem_shared>>
      tpu.wait_dma2 semaphore(%run_scoped3A_157 : memref<!tpu.dma_semaphore, #tpu.memory_space<semaphore_mem>>) src(%arg9 : memref<128x128xf32, #tpu.memory_space<vmem>>) dst(%dma_wait3A_165 : memref<128x128xf32, #tpu.memory_space<vmem_shared>>)
      tpu.yield
    }) : () -> ()
    %mul3A_60 = arith.constant 640 : i32
    %mul3A_61 = arith.muli %arg1, %mul3A_60 : i32
    %add3A_62 = arith.constant 256 : i32
    %add3A_63 = arith.addi %mul3A_61, %add3A_62 : i32
    "tpu.region"() ({
      %run_scoped3A_157 = tpu.sem_alloc : memref<!tpu.dma_semaphore, #tpu.memory_space<semaphore_mem>>
      %dma_start3A_158 = arith.constant 0 : i32
      %dma_start3A_159 = tpu.memref_slice %arg11[%add3A_63, %dma_start3A_158] : memref<10240x128xf32, #tpu.memory_space<vmem_shared>> -> memref<128x128xf32, #tpu.memory_space<vmem_shared>>
      %dma_start3A_160 = arith.constant 0 : i32
      %dma_start3A_161 = tpu.memref_slice %arg11[%add3A_63, %dma_start3A_160] : memref<10240x128xf32, #tpu.memory_space<vmem_shared>> -> memref<128x128xf32, #tpu.memory_space<vmem_shared>>
      tpu.enqueue_dma source(%arg9 : memref<128x128xf32, #tpu.memory_space<vmem>>) target(%dma_start3A_161 : memref<128x128xf32, #tpu.memory_space<vmem_shared>>) target_semaphore(%run_scoped3A_157 : memref<!tpu.dma_semaphore, #tpu.memory_space<semaphore_mem>>)
      %dma_wait3A_162 = arith.constant 0 : i32
      %dma_wait3A_163 = tpu.memref_slice %arg11[%add3A_63, %dma_wait3A_162] : memref<10240x128xf32, #tpu.memory_space<vmem_shared>> -> memref<128x128xf32, #tpu.memory_space<vmem_shared>>
      %dma_wait3A_164 = arith.constant 0 : i32
      %dma_wait3A_165 = tpu.memref_slice %arg11[%add3A_63, %dma_wait3A_164] : memref<10240x128xf32, #tpu.memory_space<vmem_shared>> -> memref<128x128xf32, #tpu.memory_space<vmem_shared>>
      tpu.wait_dma2 semaphore(%run_scoped3A_157 : memref<!tpu.dma_semaphore, #tpu.memory_space<semaphore_mem>>) src(%arg9 : memref<128x128xf32, #tpu.memory_space<vmem>>) dst(%dma_wait3A_165 : memref<128x128xf32, #tpu.memory_space<vmem_shared>>)
      tpu.yield
    }) : () -> ()
    %mul3A_64 = arith.constant 640 : i32
    %mul3A_65 = arith.muli %arg1, %mul3A_64 : i32
    %add3A_66 = arith.constant 384 : i32
    %add3A_67 = arith.addi %mul3A_65, %add3A_66 : i32
    "tpu.region"() ({
      %run_scoped3A_157 = tpu.sem_alloc : memref<!tpu.dma_semaphore, #tpu.memory_space<semaphore_mem>>
      %dma_start3A_158 = arith.constant 0 : i32
      %dma_start3A_159 = tpu.memref_slice %arg11[%add3A_67, %dma_start3A_158] : memref<10240x128xf32, #tpu.memory_space<vmem_shared>> -> memref<128x128xf32, #tpu.memory_space<vmem_shared>>
      %dma_start3A_160 = arith.constant 0 : i32
      %dma_start3A_161 = tpu.memref_slice %arg11[%add3A_67, %dma_start3A_160] : memref<10240x128xf32, #tpu.memory_space<vmem_shared>> -> memref<128x128xf32, #tpu.memory_space<vmem_shared>>
      tpu.enqueue_dma source(%arg9 : memref<128x128xf32, #tpu.memory_space<vmem>>) target(%dma_start3A_161 : memref<128x128xf32, #tpu.memory_space<vmem_shared>>) target_semaphore(%run_scoped3A_157 : memref<!tpu.dma_semaphore, #tpu.memory_space<semaphore_mem>>)
      %dma_wait3A_162 = arith.constant 0 : i32
      %dma_wait3A_163 = tpu.memref_slice %arg11[%add3A_67, %dma_wait3A_162] : memref<10240x128xf32, #tpu.memory_space<vmem_shared>> -> memref<128x128xf32, #tpu.memory_space<vmem_shared>>
      %dma_wait3A_164 = arith.constant 0 : i32
      %dma_wait3A_165 = tpu.memref_slice %arg11[%add3A_67, %dma_wait3A_164] : memref<10240x128xf32, #tpu.memory_space<vmem_shared>> -> memref<128x128xf32, #tpu.memory_space<vmem_shared>>
      tpu.wait_dma2 semaphore(%run_scoped3A_157 : memref<!tpu.dma_semaphore, #tpu.memory_space<semaphore_mem>>) src(%arg9 : memref<128x128xf32, #tpu.memory_space<vmem>>) dst(%dma_wait3A_165 : memref<128x128xf32, #tpu.memory_space<vmem_shared>>)
      tpu.yield
    }) : () -> ()
    %mul3A_68 = arith.constant 640 : i32
    %mul3A_69 = arith.muli %arg1, %mul3A_68 : i32
    %add3A_70 = arith.constant 512 : i32
    %add3A_71 = arith.addi %mul3A_69, %add3A_70 : i32
    "tpu.region"() ({
      %run_scoped3A_157 = tpu.sem_alloc : memref<!tpu.dma_semaphore, #tpu.memory_space<semaphore_mem>>
      %dma_start3A_158 = arith.constant 0 : i32
      %dma_start3A_159 = tpu.memref_slice %arg11[%add3A_71, %dma_start3A_158] : memref<10240x128xf32, #tpu.memory_space<vmem_shared>> -> memref<128x128xf32, #tpu.memory_space<vmem_shared>>
      %dma_start3A_160 = arith.constant 0 : i32
      %dma_start3A_161 = tpu.memref_slice %arg11[%add3A_71, %dma_start3A_160] : memref<10240x128xf32, #tpu.memory_space<vmem_shared>> -> memref<128x128xf32, #tpu.memory_space<vmem_shared>>
      tpu.enqueue_dma source(%arg9 : memref<128x128xf32, #tpu.memory_space<vmem>>) target(%dma_start3A_161 : memref<128x128xf32, #tpu.memory_space<vmem_shared>>) target_semaphore(%run_scoped3A_157 : memref<!tpu.dma_semaphore, #tpu.memory_space<semaphore_mem>>)
      %dma_wait3A_162 = arith.constant 0 : i32
      %dma_wait3A_163 = tpu.memref_slice %arg11[%add3A_71, %dma_wait3A_162] : memref<10240x128xf32, #tpu.memory_space<vmem_shared>> -> memref<128x128xf32, #tpu.memory_space<vmem_shared>>
      %dma_wait3A_164 = arith.constant 0 : i32
      %dma_wait3A_165 = tpu.memref_slice %arg11[%add3A_71, %dma_wait3A_164] : memref<10240x128xf32, #tpu.memory_space<vmem_shared>> -> memref<128x128xf32, #tpu.memory_space<vmem_shared>>
      tpu.wait_dma2 semaphore(%run_scoped3A_157 : memref<!tpu.dma_semaphore, #tpu.memory_space<semaphore_mem>>) src(%arg9 : memref<128x128xf32, #tpu.memory_space<vmem>>) dst(%dma_wait3A_165 : memref<128x128xf32, #tpu.memory_space<vmem_shared>>)
      tpu.yield
    }) : () -> ()
    %min3A_72 = arith.constant 0 : i32
    %min3A_73 = arith.constant 77 : i32
    %min3A_74 = arith.minsi %min3A_72, %min3A_73 : i32
    %mul3A_75 = arith.constant 128 : i32
    %mul3A_76 = arith.muli %min3A_74, %mul3A_75 : i32
    %add3A_77 = arith.addi %mul3A_4, %mul3A_76 : i32
    %multiple_of3A_78 = tpu.assume_multiple %add3A_77, 128 : i32
    %dma_wait3A = arith.constant 0 : i32
    %dma_wait3A_79 = tpu.memref_slice %arg3[%dma_wait3A, %multiple_of3A_78] : memref<2x320000xi32, #tpu.memory_space<hbm>> -> memref<2x128xi32, #tpu.memory_space<hbm>>
    %dma_wait3A_80 = arith.constant 0 : i32
    %dma_wait3A_81 = tpu.memref_slice %arg3[%dma_wait3A_80, %multiple_of3A_78] : memref<2x320000xi32, #tpu.memory_space<hbm>> -> memref<2x128xi32, #tpu.memory_space<hbm>>
    tpu.wait_dma2 semaphore(%arg14 : memref<!tpu.dma_semaphore, #tpu.memory_space<semaphore_mem>>) src(%dma_wait3A_81 : memref<2x128xi32, #tpu.memory_space<hbm>>) dst(%arg5 : memref<2x128xi32, #tpu.memory_space<vmem>>)
    %dma_start3A_82 = arith.constant 0 : i32
    %dma_start3A_83 = arith.constant 0 : i32
    %dma_start3A_84 = tpu.memref_slice %arg5[%dma_start3A_82, %dma_start3A_83] : memref<2x128xi32, #tpu.memory_space<vmem>> -> memref<1x128xi32, #tpu.memory_space<vmem>>
    %dma_start3A_85 = tpu.memref_squeeze %dma_start3A_84 : memref<1x128xi32, #tpu.memory_space<vmem>> -> memref<128xi32, #tpu.memory_space<vmem>>
    %dma_start3A_86 = arith.constant 0 : i32
    %dma_start3A_87 = arith.constant 0 : i32
    %dma_start3A_88 = tpu.memref_slice %arg2[%dma_start3A_86, %dma_start3A_87] : memref<10000x128xf32, #tpu.memory_space<hbm>> -> memref<10000x128xf32, #tpu.memory_space<hbm>>
    tpu.enqueue_indirect_dma source(%dma_start3A_88 : memref<10000x128xf32, #tpu.memory_space<hbm>>) target(%arg9 : memref<128x128xf32, #tpu.memory_space<vmem>>) offsets(%dma_start3A_85 : memref<128xi32, #tpu.memory_space<vmem>>) semaphore(%arg12 : memref<!tpu.dma_semaphore, #tpu.memory_space<semaphore_mem>>)
    %min3A_89 = arith.constant 1 : i32
    %min3A_90 = arith.constant 77 : i32
    %min3A_91 = arith.minsi %min3A_89, %min3A_90 : i32
    %mul3A_92 = arith.constant 128 : i32
    %mul3A_93 = arith.muli %min3A_91, %mul3A_92 : i32
    %add3A_94 = arith.addi %mul3A_4, %mul3A_93 : i32
    %multiple_of3A_95 = tpu.assume_multiple %add3A_94, 128 : i32
    %dma_wait3A_96 = arith.constant 0 : i32
    %dma_wait3A_97 = tpu.memref_slice %arg3[%dma_wait3A_96, %multiple_of3A_95] : memref<2x320000xi32, #tpu.memory_space<hbm>> -> memref<2x128xi32, #tpu.memory_space<hbm>>
    %dma_wait3A_98 = arith.constant 0 : i32
    %dma_wait3A_99 = tpu.memref_slice %arg3[%dma_wait3A_98, %multiple_of3A_95] : memref<2x320000xi32, #tpu.memory_space<hbm>> -> memref<2x128xi32, #tpu.memory_space<hbm>>
    tpu.wait_dma2 semaphore(%arg15 : memref<!tpu.dma_semaphore, #tpu.memory_space<semaphore_mem>>) src(%dma_wait3A_99 : memref<2x128xi32, #tpu.memory_space<hbm>>) dst(%arg6 : memref<2x128xi32, #tpu.memory_space<vmem>>)
    %dma_start3A_100 = arith.constant 0 : i32
    %dma_start3A_101 = arith.constant 0 : i32
    %dma_start3A_102 = tpu.memref_slice %arg6[%dma_start3A_100, %dma_start3A_101] : memref<2x128xi32, #tpu.memory_space<vmem>> -> memref<1x128xi32, #tpu.memory_space<vmem>>
    %dma_start3A_103 = tpu.memref_squeeze %dma_start3A_102 : memref<1x128xi32, #tpu.memory_space<vmem>> -> memref<128xi32, #tpu.memory_space<vmem>>
    %dma_start3A_104 = arith.constant 0 : i32
    %dma_start3A_105 = arith.constant 0 : i32
    %dma_start3A_106 = tpu.memref_slice %arg2[%dma_start3A_104, %dma_start3A_105] : memref<10000x128xf32, #tpu.memory_space<hbm>> -> memref<10000x128xf32, #tpu.memory_space<hbm>>
    tpu.enqueue_indirect_dma source(%dma_start3A_106 : memref<10000x128xf32, #tpu.memory_space<hbm>>) target(%arg10 : memref<128x128xf32, #tpu.memory_space<vmem>>) offsets(%dma_start3A_103 : memref<128xi32, #tpu.memory_space<vmem>>) semaphore(%arg13 : memref<!tpu.dma_semaphore, #tpu.memory_space<semaphore_mem>>)
    %barrier3A = arith.constant 0 : index
    tpu.barrier barrier_id(%barrier3A)
    %scan3A_107 = arith.constant 0 : i32
    %scan3A_108 = arith.constant 0 : i32
    %scan3A_109 = arith.constant 19 : i32
    %scan3A_110 = arith.addi %scan3A_108, %scan3A_109 : i32
    %scan3A_111 = arith.constant 1 : i32
    scf.for %scan3A_157 = %scan3A_108 to %scan3A_110 step %scan3A_111  : i32 {
      %mul3A_158 = arith.constant 4 : i32
      %mul3A_159 = arith.muli %mul3A_158, %scan3A_157 : i32
      %dma_wait3A_160 = arith.constant 0 : i32
      %dma_wait3A_161 = arith.constant 0 : i32
      %dma_wait3A_162 = tpu.memref_slice %arg5[%dma_wait3A_160, %dma_wait3A_161] : memref<2x128xi32, #tpu.memory_space<vmem>> -> memref<1x128xi32, #tpu.memory_space<vmem>>
      %dma_wait3A_163 = tpu.memref_squeeze %dma_wait3A_162 : memref<1x128xi32, #tpu.memory_space<vmem>> -> memref<128xi32, #tpu.memory_space<vmem>>
      %dma_wait3A_164 = arith.constant 0 : i32
      %dma_wait3A_165 = arith.constant 0 : i32
      %dma_wait3A_166 = tpu.memref_slice %arg2[%dma_wait3A_164, %dma_wait3A_165] : memref<10000x128xf32, #tpu.memory_space<hbm>> -> memref<10000x128xf32, #tpu.memory_space<hbm>>
      tpu.wait_indirect_dma semaphore(%arg12 : memref<!tpu.dma_semaphore, #tpu.memory_space<semaphore_mem>>) src(%dma_wait3A_166 : memref<10000x128xf32, #tpu.memory_space<hbm>>) dst(%arg9 : memref<128x128xf32, #tpu.memory_space<vmem>>)
      %run_scoped3A_167 = arith.constant 1 : i32
      "tpu.region"() ({
        %run_scoped3A_316 = tpu.sem_alloc : memref<!tpu.dma_semaphore, #tpu.memory_space<semaphore_mem>>
        %dma_start3A_317 = arith.constant 0 : i32
        %dma_start3A_318 = tpu.memref_slice %arg5[%run_scoped3A_167, %dma_start3A_317] : memref<2x128xi32, #tpu.memory_space<vmem>> -> memref<1x128xi32, #tpu.memory_space<vmem>>
        %dma_start3A_319 = tpu.memref_squeeze %dma_start3A_318 : memref<1x128xi32, #tpu.memory_space<vmem>> -> memref<128xi32, #tpu.memory_space<vmem>>
        %dma_start3A_320 = arith.constant 0 : i32
        %dma_start3A_321 = arith.constant 0 : i32
        %dma_start3A_322 = tpu.memref_slice %arg11[%dma_start3A_320, %dma_start3A_321] : memref<10240x128xf32, #tpu.memory_space<vmem_shared>> -> memref<10240x128xf32, #tpu.memory_space<vmem_shared>>
        tpu.enqueue_indirect_dma source(%arg9 : memref<128x128xf32, #tpu.memory_space<vmem>>) target(%dma_start3A_322 : memref<10240x128xf32, #tpu.memory_space<vmem_shared>>) offsets(%dma_start3A_319 : memref<128xi32, #tpu.memory_space<vmem>>) semaphore(%run_scoped3A_316 : memref<!tpu.dma_semaphore, #tpu.memory_space<semaphore_mem>>) {add = true}
        %dma_wait3A_323 = arith.constant 0 : i32
        %dma_wait3A_324 = tpu.memref_slice %arg5[%run_scoped3A_167, %dma_wait3A_323] : memref<2x128xi32, #tpu.memory_space<vmem>> -> memref<1x128xi32, #tpu.memory_space<vmem>>
        %dma_wait3A_325 = tpu.memref_squeeze %dma_wait3A_324 : memref<1x128xi32, #tpu.memory_space<vmem>> -> memref<128xi32, #tpu.memory_space<vmem>>
        %dma_wait3A_326 = arith.constant 0 : i32
        %dma_wait3A_327 = arith.constant 0 : i32
        %dma_wait3A_328 = tpu.memref_slice %arg11[%dma_wait3A_326, %dma_wait3A_327] : memref<10240x128xf32, #tpu.memory_space<vmem_shared>> -> memref<10240x128xf32, #tpu.memory_space<vmem_shared>>
        tpu.wait_indirect_dma semaphore(%run_scoped3A_316 : memref<!tpu.dma_semaphore, #tpu.memory_space<semaphore_mem>>) src(%arg9 : memref<128x128xf32, #tpu.memory_space<vmem>>) dst(%dma_wait3A_328 : memref<10240x128xf32, #tpu.memory_space<vmem_shared>>)
        tpu.yield
      }) : () -> ()
      %add3A_168 = arith.constant 2 : i32
      %add3A_169 = arith.addi %mul3A_159, %add3A_168 : i32
      %min3A_170 = arith.constant 77 : i32
      %min3A_171 = arith.minsi %add3A_169, %min3A_170 : i32
      %mul3A_172 = arith.constant 128 : i32
      %mul3A_173 = arith.muli %min3A_171, %mul3A_172 : i32
      %add3A_174 = arith.addi %mul3A_4, %mul3A_173 : i32
      %multiple_of3A_175 = tpu.assume_multiple %add3A_174, 128 : i32
      %dma_wait3A_176 = arith.constant 0 : i32
      %dma_wait3A_177 = tpu.memref_slice %arg3[%dma_wait3A_176, %multiple_of3A_175] : memref<2x320000xi32, #tpu.memory_space<hbm>> -> memref<2x128xi32, #tpu.memory_space<hbm>>
      %dma_wait3A_178 = arith.constant 0 : i32
      %dma_wait3A_179 = tpu.memref_slice %arg3[%dma_wait3A_178, %multiple_of3A_175] : memref<2x320000xi32, #tpu.memory_space<hbm>> -> memref<2x128xi32, #tpu.memory_space<hbm>>
      tpu.wait_dma2 semaphore(%arg16 : memref<!tpu.dma_semaphore, #tpu.memory_space<semaphore_mem>>) src(%dma_wait3A_179 : memref<2x128xi32, #tpu.memory_space<hbm>>) dst(%arg7 : memref<2x128xi32, #tpu.memory_space<vmem>>)
      %dma_start3A_180 = arith.constant 0 : i32
      %dma_start3A_181 = arith.constant 0 : i32
      %dma_start3A_182 = tpu.memref_slice %arg7[%dma_start3A_180, %dma_start3A_181] : memref<2x128xi32, #tpu.memory_space<vmem>> -> memref<1x128xi32, #tpu.memory_space<vmem>>
      %dma_start3A_183 = tpu.memref_squeeze %dma_start3A_182 : memref<1x128xi32, #tpu.memory_space<vmem>> -> memref<128xi32, #tpu.memory_space<vmem>>
      %dma_start3A_184 = arith.constant 0 : i32
      %dma_start3A_185 = arith.constant 0 : i32
      %dma_start3A_186 = tpu.memref_slice %arg2[%dma_start3A_184, %dma_start3A_185] : memref<10000x128xf32, #tpu.memory_space<hbm>> -> memref<10000x128xf32, #tpu.memory_space<hbm>>
      tpu.enqueue_indirect_dma source(%dma_start3A_186 : memref<10000x128xf32, #tpu.memory_space<hbm>>) target(%arg9 : memref<128x128xf32, #tpu.memory_space<vmem>>) offsets(%dma_start3A_183 : memref<128xi32, #tpu.memory_space<vmem>>) semaphore(%arg12 : memref<!tpu.dma_semaphore, #tpu.memory_space<semaphore_mem>>)
      %dma_wait3A_187 = arith.constant 0 : i32
      %dma_wait3A_188 = arith.constant 0 : i32
      %dma_wait3A_189 = tpu.memref_slice %arg6[%dma_wait3A_187, %dma_wait3A_188] : memref<2x128xi32, #tpu.memory_space<vmem>> -> memref<1x128xi32, #tpu.memory_space<vmem>>
      %dma_wait3A_190 = tpu.memref_squeeze %dma_wait3A_189 : memref<1x128xi32, #tpu.memory_space<vmem>> -> memref<128xi32, #tpu.memory_space<vmem>>
      %dma_wait3A_191 = arith.constant 0 : i32
      %dma_wait3A_192 = arith.constant 0 : i32
      %dma_wait3A_193 = tpu.memref_slice %arg2[%dma_wait3A_191, %dma_wait3A_192] : memref<10000x128xf32, #tpu.memory_space<hbm>> -> memref<10000x128xf32, #tpu.memory_space<hbm>>
      tpu.wait_indirect_dma semaphore(%arg13 : memref<!tpu.dma_semaphore, #tpu.memory_space<semaphore_mem>>) src(%dma_wait3A_193 : memref<10000x128xf32, #tpu.memory_space<hbm>>) dst(%arg10 : memref<128x128xf32, #tpu.memory_space<vmem>>)
      %run_scoped3A_194 = arith.constant 1 : i32
      "tpu.region"() ({
        %run_scoped3A_316 = tpu.sem_alloc : memref<!tpu.dma_semaphore, #tpu.memory_space<semaphore_mem>>
        %dma_start3A_317 = arith.constant 0 : i32
        %dma_start3A_318 = tpu.memref_slice %arg6[%run_scoped3A_194, %dma_start3A_317] : memref<2x128xi32, #tpu.memory_space<vmem>> -> memref<1x128xi32, #tpu.memory_space<vmem>>
        %dma_start3A_319 = tpu.memref_squeeze %dma_start3A_318 : memref<1x128xi32, #tpu.memory_space<vmem>> -> memref<128xi32, #tpu.memory_space<vmem>>
        %dma_start3A_320 = arith.constant 0 : i32
        %dma_start3A_321 = arith.constant 0 : i32
        %dma_start3A_322 = tpu.memref_slice %arg11[%dma_start3A_320, %dma_start3A_321] : memref<10240x128xf32, #tpu.memory_space<vmem_shared>> -> memref<10240x128xf32, #tpu.memory_space<vmem_shared>>
        tpu.enqueue_indirect_dma source(%arg10 : memref<128x128xf32, #tpu.memory_space<vmem>>) target(%dma_start3A_322 : memref<10240x128xf32, #tpu.memory_space<vmem_shared>>) offsets(%dma_start3A_319 : memref<128xi32, #tpu.memory_space<vmem>>) semaphore(%run_scoped3A_316 : memref<!tpu.dma_semaphore, #tpu.memory_space<semaphore_mem>>) {add = true}
        %dma_wait3A_323 = arith.constant 0 : i32
        %dma_wait3A_324 = tpu.memref_slice %arg6[%run_scoped3A_194, %dma_wait3A_323] : memref<2x128xi32, #tpu.memory_space<vmem>> -> memref<1x128xi32, #tpu.memory_space<vmem>>
        %dma_wait3A_325 = tpu.memref_squeeze %dma_wait3A_324 : memref<1x128xi32, #tpu.memory_space<vmem>> -> memref<128xi32, #tpu.memory_space<vmem>>
        %dma_wait3A_326 = arith.constant 0 : i32
        %dma_wait3A_327 = arith.constant 0 : i32
        %dma_wait3A_328 = tpu.memref_slice %arg11[%dma_wait3A_326, %dma_wait3A_327] : memref<10240x128xf32, #tpu.memory_space<vmem_shared>> -> memref<10240x128xf32, #tpu.memory_space<vmem_shared>>
        tpu.wait_indirect_dma semaphore(%run_scoped3A_316 : memref<!tpu.dma_semaphore, #tpu.memory_space<semaphore_mem>>) src(%arg10 : memref<128x128xf32, #tpu.memory_space<vmem>>) dst(%dma_wait3A_328 : memref<10240x128xf32, #tpu.memory_space<vmem_shared>>)
        tpu.yield
      }) : () -> ()
      %add3A_195 = arith.constant 3 : i32
      %add3A_196 = arith.addi %mul3A_159, %add3A_195 : i32
      %min3A_197 = arith.constant 77 : i32
      %min3A_198 = arith.minsi %add3A_196, %min3A_197 : i32
      %mul3A_199 = arith.constant 128 : i32
      %mul3A_200 = arith.muli %min3A_198, %mul3A_199 : i32
      %add3A_201 = arith.addi %mul3A_4, %mul3A_200 : i32
      %multiple_of3A_202 = tpu.assume_multiple %add3A_201, 128 : i32
      %dma_wait3A_203 = arith.constant 0 : i32
      %dma_wait3A_204 = tpu.memref_slice %arg3[%dma_wait3A_203, %multiple_of3A_202] : memref<2x320000xi32, #tpu.memory_space<hbm>> -> memref<2x128xi32, #tpu.memory_space<hbm>>
      %dma_wait3A_205 = arith.constant 0 : i32
      %dma_wait3A_206 = tpu.memref_slice %arg3[%dma_wait3A_205, %multiple_of3A_202] : memref<2x320000xi32, #tpu.memory_space<hbm>> -> memref<2x128xi32, #tpu.memory_space<hbm>>
      tpu.wait_dma2 semaphore(%arg17 : memref<!tpu.dma_semaphore, #tpu.memory_space<semaphore_mem>>) src(%dma_wait3A_206 : memref<2x128xi32, #tpu.memory_space<hbm>>) dst(%arg8 : memref<2x128xi32, #tpu.memory_space<vmem>>)
      %dma_start3A_207 = arith.constant 0 : i32
      %dma_start3A_208 = arith.constant 0 : i32
      %dma_start3A_209 = tpu.memref_slice %arg8[%dma_start3A_207, %dma_start3A_208] : memref<2x128xi32, #tpu.memory_space<vmem>> -> memref<1x128xi32, #tpu.memory_space<vmem>>
      %dma_start3A_210 = tpu.memref_squeeze %dma_start3A_209 : memref<1x128xi32, #tpu.memory_space<vmem>> -> memref<128xi32, #tpu.memory_space<vmem>>
      %dma_start3A_211 = arith.constant 0 : i32
      %dma_start3A_212 = arith.constant 0 : i32
      %dma_start3A_213 = tpu.memref_slice %arg2[%dma_start3A_211, %dma_start3A_212] : memref<10000x128xf32, #tpu.memory_space<hbm>> -> memref<10000x128xf32, #tpu.memory_space<hbm>>
      tpu.enqueue_indirect_dma source(%dma_start3A_213 : memref<10000x128xf32, #tpu.memory_space<hbm>>) target(%arg10 : memref<128x128xf32, #tpu.memory_space<vmem>>) offsets(%dma_start3A_210 : memref<128xi32, #tpu.memory_space<vmem>>) semaphore(%arg13 : memref<!tpu.dma_semaphore, #tpu.memory_space<semaphore_mem>>)
      %add3A_214 = arith.constant 4 : i32
      %add3A_215 = arith.addi %mul3A_159, %add3A_214 : i32
      %min3A_216 = arith.constant 77 : i32
      %min3A_217 = arith.minsi %add3A_215, %min3A_216 : i32
      %mul3A_218 = arith.constant 128 : i32
      %mul3A_219 = arith.muli %min3A_217, %mul3A_218 : i32
      %add3A_220 = arith.addi %mul3A_4, %mul3A_219 : i32
      %multiple_of3A_221 = tpu.assume_multiple %add3A_220, 128 : i32
      %dma_start3A_222 = arith.constant 0 : i32
      %dma_start3A_223 = tpu.memref_slice %arg3[%dma_start3A_222, %multiple_of3A_221] : memref<2x320000xi32, #tpu.memory_space<hbm>> -> memref<2x128xi32, #tpu.memory_space<hbm>>
      %dma_start3A_224 = arith.constant 0 : i32
      %dma_start3A_225 = tpu.memref_slice %arg3[%dma_start3A_224, %multiple_of3A_221] : memref<2x320000xi32, #tpu.memory_space<hbm>> -> memref<2x128xi32, #tpu.memory_space<hbm>>
      tpu.enqueue_dma source(%dma_start3A_225 : memref<2x128xi32, #tpu.memory_space<hbm>>) target(%arg5 : memref<2x128xi32, #tpu.memory_space<vmem>>) target_semaphore(%arg14 : memref<!tpu.dma_semaphore, #tpu.memory_space<semaphore_mem>>)
      %add3A_226 = arith.constant 5 : i32
      %add3A_227 = arith.addi %mul3A_159, %add3A_226 : i32
      %min3A_228 = arith.constant 77 : i32
      %min3A_229 = arith.minsi %add3A_227, %min3A_228 : i32
      %mul3A_230 = arith.constant 128 : i32
      %mul3A_231 = arith.muli %min3A_229, %mul3A_230 : i32
      %add3A_232 = arith.addi %mul3A_4, %mul3A_231 : i32
      %multiple_of3A_233 = tpu.assume_multiple %add3A_232, 128 : i32
      %dma_start3A_234 = arith.constant 0 : i32
      %dma_start3A_235 = tpu.memref_slice %arg3[%dma_start3A_234, %multiple_of3A_233] : memref<2x320000xi32, #tpu.memory_space<hbm>> -> memref<2x128xi32, #tpu.memory_space<hbm>>
      %dma_start3A_236 = arith.constant 0 : i32
      %dma_start3A_237 = tpu.memref_slice %arg3[%dma_start3A_236, %multiple_of3A_233] : memref<2x320000xi32, #tpu.memory_space<hbm>> -> memref<2x128xi32, #tpu.memory_space<hbm>>
      tpu.enqueue_dma source(%dma_start3A_237 : memref<2x128xi32, #tpu.memory_space<hbm>>) target(%arg6 : memref<2x128xi32, #tpu.memory_space<vmem>>) target_semaphore(%arg15 : memref<!tpu.dma_semaphore, #tpu.memory_space<semaphore_mem>>)
      %dma_wait3A_238 = arith.constant 0 : i32
      %dma_wait3A_239 = arith.constant 0 : i32
      %dma_wait3A_240 = tpu.memref_slice %arg7[%dma_wait3A_238, %dma_wait3A_239] : memref<2x128xi32, #tpu.memory_space<vmem>> -> memref<1x128xi32, #tpu.memory_space<vmem>>
      %dma_wait3A_241 = tpu.memref_squeeze %dma_wait3A_240 : memref<1x128xi32, #tpu.memory_space<vmem>> -> memref<128xi32, #tpu.memory_space<vmem>>
      %dma_wait3A_242 = arith.constant 0 : i32
      %dma_wait3A_243 = arith.constant 0 : i32
      %dma_wait3A_244 = tpu.memref_slice %arg2[%dma_wait3A_242, %dma_wait3A_243] : memref<10000x128xf32, #tpu.memory_space<hbm>> -> memref<10000x128xf32, #tpu.memory_space<hbm>>
      tpu.wait_indirect_dma semaphore(%arg12 : memref<!tpu.dma_semaphore, #tpu.memory_space<semaphore_mem>>) src(%dma_wait3A_244 : memref<10000x128xf32, #tpu.memory_space<hbm>>) dst(%arg9 : memref<128x128xf32, #tpu.memory_space<vmem>>)
      %run_scoped3A_245 = arith.constant 1 : i32
      "tpu.region"() ({
        %run_scoped3A_316 = tpu.sem_alloc : memref<!tpu.dma_semaphore, #tpu.memory_space<semaphore_mem>>
        %dma_start3A_317 = arith.constant 0 : i32
        %dma_start3A_318 = tpu.memref_slice %arg7[%run_scoped3A_245, %dma_start3A_317] : memref<2x128xi32, #tpu.memory_space<vmem>> -> memref<1x128xi32, #tpu.memory_space<vmem>>
        %dma_start3A_319 = tpu.memref_squeeze %dma_start3A_318 : memref<1x128xi32, #tpu.memory_space<vmem>> -> memref<128xi32, #tpu.memory_space<vmem>>
        %dma_start3A_320 = arith.constant 0 : i32
        %dma_start3A_321 = arith.constant 0 : i32
        %dma_start3A_322 = tpu.memref_slice %arg11[%dma_start3A_320, %dma_start3A_321] : memref<10240x128xf32, #tpu.memory_space<vmem_shared>> -> memref<10240x128xf32, #tpu.memory_space<vmem_shared>>
        tpu.enqueue_indirect_dma source(%arg9 : memref<128x128xf32, #tpu.memory_space<vmem>>) target(%dma_start3A_322 : memref<10240x128xf32, #tpu.memory_space<vmem_shared>>) offsets(%dma_start3A_319 : memref<128xi32, #tpu.memory_space<vmem>>) semaphore(%run_scoped3A_316 : memref<!tpu.dma_semaphore, #tpu.memory_space<semaphore_mem>>) {add = true}
        %dma_wait3A_323 = arith.constant 0 : i32
        %dma_wait3A_324 = tpu.memref_slice %arg7[%run_scoped3A_245, %dma_wait3A_323] : memref<2x128xi32, #tpu.memory_space<vmem>> -> memref<1x128xi32, #tpu.memory_space<vmem>>
        %dma_wait3A_325 = tpu.memref_squeeze %dma_wait3A_324 : memref<1x128xi32, #tpu.memory_space<vmem>> -> memref<128xi32, #tpu.memory_space<vmem>>
        %dma_wait3A_326 = arith.constant 0 : i32
        %dma_wait3A_327 = arith.constant 0 : i32
        %dma_wait3A_328 = tpu.memref_slice %arg11[%dma_wait3A_326, %dma_wait3A_327] : memref<10240x128xf32, #tpu.memory_space<vmem_shared>> -> memref<10240x128xf32, #tpu.memory_space<vmem_shared>>
        tpu.wait_indirect_dma semaphore(%run_scoped3A_316 : memref<!tpu.dma_semaphore, #tpu.memory_space<semaphore_mem>>) src(%arg9 : memref<128x128xf32, #tpu.memory_space<vmem>>) dst(%dma_wait3A_328 : memref<10240x128xf32, #tpu.memory_space<vmem_shared>>)
        tpu.yield
      }) : () -> ()
      %add3A_246 = arith.constant 4 : i32
      %add3A_247 = arith.addi %mul3A_159, %add3A_246 : i32
      %min3A_248 = arith.constant 77 : i32
      %min3A_249 = arith.minsi %add3A_247, %min3A_248 : i32
      %mul3A_250 = arith.constant 128 : i32
      %mul3A_251 = arith.muli %min3A_249, %mul3A_250 : i32
      %add3A_252 = arith.addi %mul3A_4, %mul3A_251 : i32
      %multiple_of3A_253 = tpu.assume_multiple %add3A_252, 128 : i32
      %dma_wait3A_254 = arith.constant 0 : i32
      %dma_wait3A_255 = tpu.memref_slice %arg3[%dma_wait3A_254, %multiple_of3A_253] : memref<2x320000xi32, #tpu.memory_space<hbm>> -> memref<2x128xi32, #tpu.memory_space<hbm>>
      %dma_wait3A_256 = arith.constant 0 : i32
      %dma_wait3A_257 = tpu.memref_slice %arg3[%dma_wait3A_256, %multiple_of3A_253] : memref<2x320000xi32, #tpu.memory_space<hbm>> -> memref<2x128xi32, #tpu.memory_space<hbm>>
      tpu.wait_dma2 semaphore(%arg14 : memref<!tpu.dma_semaphore, #tpu.memory_space<semaphore_mem>>) src(%dma_wait3A_257 : memref<2x128xi32, #tpu.memory_space<hbm>>) dst(%arg5 : memref<2x128xi32, #tpu.memory_space<vmem>>)
      %dma_start3A_258 = arith.constant 0 : i32
      %dma_start3A_259 = arith.constant 0 : i32
      %dma_start3A_260 = tpu.memref_slice %arg5[%dma_start3A_258, %dma_start3A_259] : memref<2x128xi32, #tpu.memory_space<vmem>> -> memref<1x128xi32, #tpu.memory_space<vmem>>
      %dma_start3A_261 = tpu.memref_squeeze %dma_start3A_260 : memref<1x128xi32, #tpu.memory_space<vmem>> -> memref<128xi32, #tpu.memory_space<vmem>>
      %dma_start3A_262 = arith.constant 0 : i32
      %dma_start3A_263 = arith.constant 0 : i32
      %dma_start3A_264 = tpu.memref_slice %arg2[%dma_start3A_262, %dma_start3A_263] : memref<10000x128xf32, #tpu.memory_space<hbm>> -> memref<10000x128xf32, #tpu.memory_space<hbm>>
      tpu.enqueue_indirect_dma source(%dma_start3A_264 : memref<10000x128xf32, #tpu.memory_space<hbm>>) target(%arg9 : memref<128x128xf32, #tpu.memory_space<vmem>>) offsets(%dma_start3A_261 : memref<128xi32, #tpu.memory_space<vmem>>) semaphore(%arg12 : memref<!tpu.dma_semaphore, #tpu.memory_space<semaphore_mem>>)
      %dma_wait3A_265 = arith.constant 0 : i32
      %dma_wait3A_266 = arith.constant 0 : i32
      %dma_wait3A_267 = tpu.memref_slice %arg8[%dma_wait3A_265, %dma_wait3A_266] : memref<2x128xi32, #tpu.memory_space<vmem>> -> memref<1x128xi32, #tpu.memory_space<vmem>>
      %dma_wait3A_268 = tpu.memref_squeeze %dma_wait3A_267 : memref<1x128xi32, #tpu.memory_space<vmem>> -> memref<128xi32, #tpu.memory_space<vmem>>
      %dma_wait3A_269 = arith.constant 0 : i32
      %dma_wait3A_270 = arith.constant 0 : i32
      %dma_wait3A_271 = tpu.memref_slice %arg2[%dma_wait3A_269, %dma_wait3A_270] : memref<10000x128xf32, #tpu.memory_space<hbm>> -> memref<10000x128xf32, #tpu.memory_space<hbm>>
      tpu.wait_indirect_dma semaphore(%arg13 : memref<!tpu.dma_semaphore, #tpu.memory_space<semaphore_mem>>) src(%dma_wait3A_271 : memref<10000x128xf32, #tpu.memory_space<hbm>>) dst(%arg10 : memref<128x128xf32, #tpu.memory_space<vmem>>)
      %run_scoped3A_272 = arith.constant 1 : i32
      "tpu.region"() ({
        %run_scoped3A_316 = tpu.sem_alloc : memref<!tpu.dma_semaphore, #tpu.memory_space<semaphore_mem>>
        %dma_start3A_317 = arith.constant 0 : i32
        %dma_start3A_318 = tpu.memref_slice %arg8[%run_scoped3A_272, %dma_start3A_317] : memref<2x128xi32, #tpu.memory_space<vmem>> -> memref<1x128xi32, #tpu.memory_space<vmem>>
        %dma_start3A_319 = tpu.memref_squeeze %dma_start3A_318 : memref<1x128xi32, #tpu.memory_space<vmem>> -> memref<128xi32, #tpu.memory_space<vmem>>
        %dma_start3A_320 = arith.constant 0 : i32
        %dma_start3A_321 = arith.constant 0 : i32
        %dma_start3A_322 = tpu.memref_slice %arg11[%dma_start3A_320, %dma_start3A_321] : memref<10240x128xf32, #tpu.memory_space<vmem_shared>> -> memref<10240x128xf32, #tpu.memory_space<vmem_shared>>
        tpu.enqueue_indirect_dma source(%arg10 : memref<128x128xf32, #tpu.memory_space<vmem>>) target(%dma_start3A_322 : memref<10240x128xf32, #tpu.memory_space<vmem_shared>>) offsets(%dma_start3A_319 : memref<128xi32, #tpu.memory_space<vmem>>) semaphore(%run_scoped3A_316 : memref<!tpu.dma_semaphore, #tpu.memory_space<semaphore_mem>>) {add = true}
        %dma_wait3A_323 = arith.constant 0 : i32
        %dma_wait3A_324 = tpu.memref_slice %arg8[%run_scoped3A_272, %dma_wait3A_323] : memref<2x128xi32, #tpu.memory_space<vmem>> -> memref<1x128xi32, #tpu.memory_space<vmem>>
        %dma_wait3A_325 = tpu.memref_squeeze %dma_wait3A_324 : memref<1x128xi32, #tpu.memory_space<vmem>> -> memref<128xi32, #tpu.memory_space<vmem>>
        %dma_wait3A_326 = arith.constant 0 : i32
        %dma_wait3A_327 = arith.constant 0 : i32
        %dma_wait3A_328 = tpu.memref_slice %arg11[%dma_wait3A_326, %dma_wait3A_327] : memref<10240x128xf32, #tpu.memory_space<vmem_shared>> -> memref<10240x128xf32, #tpu.memory_space<vmem_shared>>
        tpu.wait_indirect_dma semaphore(%run_scoped3A_316 : memref<!tpu.dma_semaphore, #tpu.memory_space<semaphore_mem>>) src(%arg10 : memref<128x128xf32, #tpu.memory_space<vmem>>) dst(%dma_wait3A_328 : memref<10240x128xf32, #tpu.memory_space<vmem_shared>>)
        tpu.yield
      }) : () -> ()
      %add3A_273 = arith.constant 5 : i32
      %add3A_274 = arith.addi %mul3A_159, %add3A_273 : i32
      %min3A_275 = arith.constant 77 : i32
      %min3A_276 = arith.minsi %add3A_274, %min3A_275 : i32
      %mul3A_277 = arith.constant 128 : i32
      %mul3A_278 = arith.muli %min3A_276, %mul3A_277 : i32
      %add3A_279 = arith.addi %mul3A_4, %mul3A_278 : i32
      %multiple_of3A_280 = tpu.assume_multiple %add3A_279, 128 : i32
      %dma_wait3A_281 = arith.constant 0 : i32
      %dma_wait3A_282 = tpu.memref_slice %arg3[%dma_wait3A_281, %multiple_of3A_280] : memref<2x320000xi32, #tpu.memory_space<hbm>> -> memref<2x128xi32, #tpu.memory_space<hbm>>
      %dma_wait3A_283 = arith.constant 0 : i32
      %dma_wait3A_284 = tpu.memref_slice %arg3[%dma_wait3A_283, %multiple_of3A_280] : memref<2x320000xi32, #tpu.memory_space<hbm>> -> memref<2x128xi32, #tpu.memory_space<hbm>>
      tpu.wait_dma2 semaphore(%arg15 : memref<!tpu.dma_semaphore, #tpu.memory_space<semaphore_mem>>) src(%dma_wait3A_284 : memref<2x128xi32, #tpu.memory_space<hbm>>) dst(%arg6 : memref<2x128xi32, #tpu.memory_space<vmem>>)
      %dma_start3A_285 = arith.constant 0 : i32
      %dma_start3A_286 = arith.constant 0 : i32
      %dma_start3A_287 = tpu.memref_slice %arg6[%dma_start3A_285, %dma_start3A_286] : memref<2x128xi32, #tpu.memory_space<vmem>> -> memref<1x128xi32, #tpu.memory_space<vmem>>
      %dma_start3A_288 = tpu.memref_squeeze %dma_start3A_287 : memref<1x128xi32, #tpu.memory_space<vmem>> -> memref<128xi32, #tpu.memory_space<vmem>>
      %dma_start3A_289 = arith.constant 0 : i32
      %dma_start3A_290 = arith.constant 0 : i32
      %dma_start3A_291 = tpu.memref_slice %arg2[%dma_start3A_289, %dma_start3A_290] : memref<10000x128xf32, #tpu.memory_space<hbm>> -> memref<10000x128xf32, #tpu.memory_space<hbm>>
      tpu.enqueue_indirect_dma source(%dma_start3A_291 : memref<10000x128xf32, #tpu.memory_space<hbm>>) target(%arg10 : memref<128x128xf32, #tpu.memory_space<vmem>>) offsets(%dma_start3A_288 : memref<128xi32, #tpu.memory_space<vmem>>) semaphore(%arg13 : memref<!tpu.dma_semaphore, #tpu.memory_space<semaphore_mem>>)
      %add3A_292 = arith.constant 6 : i32
      %add3A_293 = arith.addi %mul3A_159, %add3A_292 : i32
      %min3A_294 = arith.constant 77 : i32
      %min3A_295 = arith.minsi %add3A_293, %min3A_294 : i32
      %mul3A_296 = arith.constant 128 : i32
      %mul3A_297 = arith.muli %min3A_295, %mul3A_296 : i32
      %add3A_298 = arith.addi %mul3A_4, %mul3A_297 : i32
      %multiple_of3A_299 = tpu.assume_multiple %add3A_298, 128 : i32
      %dma_start3A_300 = arith.constant 0 : i32
      %dma_start3A_301 = tpu.memref_slice %arg3[%dma_start3A_300, %multiple_of3A_299] : memref<2x320000xi32, #tpu.memory_space<hbm>> -> memref<2x128xi32, #tpu.memory_space<hbm>>
      %dma_start3A_302 = arith.constant 0 : i32
      %dma_start3A_303 = tpu.memref_slice %arg3[%dma_start3A_302, %multiple_of3A_299] : memref<2x320000xi32, #tpu.memory_space<hbm>> -> memref<2x128xi32, #tpu.memory_space<hbm>>
      tpu.enqueue_dma source(%dma_start3A_303 : memref<2x128xi32, #tpu.memory_space<hbm>>) target(%arg7 : memref<2x128xi32, #tpu.memory_space<vmem>>) target_semaphore(%arg16 : memref<!tpu.dma_semaphore, #tpu.memory_space<semaphore_mem>>)
      %add3A_304 = arith.constant 7 : i32
      %add3A_305 = arith.addi %mul3A_159, %add3A_304 : i32
      %min3A_306 = arith.constant 77 : i32
      %min3A_307 = arith.minsi %add3A_305, %min3A_306 : i32
      %mul3A_308 = arith.constant 128 : i32
      %mul3A_309 = arith.muli %min3A_307, %mul3A_308 : i32
      %add3A_310 = arith.addi %mul3A_4, %mul3A_309 : i32
      %multiple_of3A_311 = tpu.assume_multiple %add3A_310, 128 : i32
      %dma_start3A_312 = arith.constant 0 : i32
      %dma_start3A_313 = tpu.memref_slice %arg3[%dma_start3A_312, %multiple_of3A_311] : memref<2x320000xi32, #tpu.memory_space<hbm>> -> memref<2x128xi32, #tpu.memory_space<hbm>>
      %dma_start3A_314 = arith.constant 0 : i32
      %dma_start3A_315 = tpu.memref_slice %arg3[%dma_start3A_314, %multiple_of3A_311] : memref<2x320000xi32, #tpu.memory_space<hbm>> -> memref<2x128xi32, #tpu.memory_space<hbm>>
      tpu.enqueue_dma source(%dma_start3A_315 : memref<2x128xi32, #tpu.memory_space<hbm>>) target(%arg8 : memref<2x128xi32, #tpu.memory_space<vmem>>) target_semaphore(%arg17 : memref<!tpu.dma_semaphore, #tpu.memory_space<semaphore_mem>>)
    }
    %scan3A_112 = arith.constant 19 : i32
    %dma_wait3A_113 = arith.constant 0 : i32
    %dma_wait3A_114 = arith.constant 0 : i32
    %dma_wait3A_115 = tpu.memref_slice %arg5[%dma_wait3A_113, %dma_wait3A_114] : memref<2x128xi32, #tpu.memory_space<vmem>> -> memref<1x128xi32, #tpu.memory_space<vmem>>
    %dma_wait3A_116 = tpu.memref_squeeze %dma_wait3A_115 : memref<1x128xi32, #tpu.memory_space<vmem>> -> memref<128xi32, #tpu.memory_space<vmem>>
    %dma_wait3A_117 = arith.constant 0 : i32
    %dma_wait3A_118 = arith.constant 0 : i32
    %dma_wait3A_119 = tpu.memref_slice %arg2[%dma_wait3A_117, %dma_wait3A_118] : memref<10000x128xf32, #tpu.memory_space<hbm>> -> memref<10000x128xf32, #tpu.memory_space<hbm>>
    tpu.wait_indirect_dma semaphore(%arg12 : memref<!tpu.dma_semaphore, #tpu.memory_space<semaphore_mem>>) src(%dma_wait3A_119 : memref<10000x128xf32, #tpu.memory_space<hbm>>) dst(%arg9 : memref<128x128xf32, #tpu.memory_space<vmem>>)
    %run_scoped3A = arith.constant 1 : i32
    "tpu.region"() ({
      %run_scoped3A_157 = tpu.sem_alloc : memref<!tpu.dma_semaphore, #tpu.memory_space<semaphore_mem>>
      %dma_start3A_158 = arith.constant 0 : i32
      %dma_start3A_159 = tpu.memref_slice %arg5[%run_scoped3A, %dma_start3A_158] : memref<2x128xi32, #tpu.memory_space<vmem>> -> memref<1x128xi32, #tpu.memory_space<vmem>>
      %dma_start3A_160 = tpu.memref_squeeze %dma_start3A_159 : memref<1x128xi32, #tpu.memory_space<vmem>> -> memref<128xi32, #tpu.memory_space<vmem>>
      %dma_start3A_161 = arith.constant 0 : i32
      %dma_start3A_162 = arith.constant 0 : i32
      %dma_start3A_163 = tpu.memref_slice %arg11[%dma_start3A_161, %dma_start3A_162] : memref<10240x128xf32, #tpu.memory_space<vmem_shared>> -> memref<10240x128xf32, #tpu.memory_space<vmem_shared>>
      tpu.enqueue_indirect_dma source(%arg9 : memref<128x128xf32, #tpu.memory_space<vmem>>) target(%dma_start3A_163 : memref<10240x128xf32, #tpu.memory_space<vmem_shared>>) offsets(%dma_start3A_160 : memref<128xi32, #tpu.memory_space<vmem>>) semaphore(%run_scoped3A_157 : memref<!tpu.dma_semaphore, #tpu.memory_space<semaphore_mem>>) {add = true}
      %dma_wait3A_164 = arith.constant 0 : i32
      %dma_wait3A_165 = tpu.memref_slice %arg5[%run_scoped3A, %dma_wait3A_164] : memref<2x128xi32, #tpu.memory_space<vmem>> -> memref<1x128xi32, #tpu.memory_space<vmem>>
      %dma_wait3A_166 = tpu.memref_squeeze %dma_wait3A_165 : memref<1x128xi32, #tpu.memory_space<vmem>> -> memref<128xi32, #tpu.memory_space<vmem>>
      %dma_wait3A_167 = arith.constant 0 : i32
      %dma_wait3A_168 = arith.constant 0 : i32
      %dma_wait3A_169 = tpu.memref_slice %arg11[%dma_wait3A_167, %dma_wait3A_168] : memref<10240x128xf32, #tpu.memory_space<vmem_shared>> -> memref<10240x128xf32, #tpu.memory_space<vmem_shared>>
      tpu.wait_indirect_dma semaphore(%run_scoped3A_157 : memref<!tpu.dma_semaphore, #tpu.memory_space<semaphore_mem>>) src(%arg9 : memref<128x128xf32, #tpu.memory_space<vmem>>) dst(%dma_wait3A_169 : memref<10240x128xf32, #tpu.memory_space<vmem_shared>>)
      tpu.yield
    }) : () -> ()
    %dma_wait3A_120 = arith.constant 0 : i32
    %dma_wait3A_121 = arith.constant 0 : i32
    %dma_wait3A_122 = tpu.memref_slice %arg6[%dma_wait3A_120, %dma_wait3A_121] : memref<2x128xi32, #tpu.memory_space<vmem>> -> memref<1x128xi32, #tpu.memory_space<vmem>>
    %dma_wait3A_123 = tpu.memref_squeeze %dma_wait3A_122 : memref<1x128xi32, #tpu.memory_space<vmem>> -> memref<128xi32, #tpu.memory_space<vmem>>
    %dma_wait3A_124 = arith.constant 0 : i32
    %dma_wait3A_125 = arith.constant 0 : i32
    %dma_wait3A_126 = tpu.memref_slice %arg2[%dma_wait3A_124, %dma_wait3A_125] : memref<10000x128xf32, #tpu.memory_space<hbm>> -> memref<10000x128xf32, #tpu.memory_space<hbm>>
    tpu.wait_indirect_dma semaphore(%arg13 : memref<!tpu.dma_semaphore, #tpu.memory_space<semaphore_mem>>) src(%dma_wait3A_126 : memref<10000x128xf32, #tpu.memory_space<hbm>>) dst(%arg10 : memref<128x128xf32, #tpu.memory_space<vmem>>)
    %run_scoped3A_127 = arith.constant 1 : i32
    "tpu.region"() ({
      %run_scoped3A_157 = tpu.sem_alloc : memref<!tpu.dma_semaphore, #tpu.memory_space<semaphore_mem>>
      %dma_start3A_158 = arith.constant 0 : i32
      %dma_start3A_159 = tpu.memref_slice %arg6[%run_scoped3A_127, %dma_start3A_158] : memref<2x128xi32, #tpu.memory_space<vmem>> -> memref<1x128xi32, #tpu.memory_space<vmem>>
      %dma_start3A_160 = tpu.memref_squeeze %dma_start3A_159 : memref<1x128xi32, #tpu.memory_space<vmem>> -> memref<128xi32, #tpu.memory_space<vmem>>
      %dma_start3A_161 = arith.constant 0 : i32
      %dma_start3A_162 = arith.constant 0 : i32
      %dma_start3A_163 = tpu.memref_slice %arg11[%dma_start3A_161, %dma_start3A_162] : memref<10240x128xf32, #tpu.memory_space<vmem_shared>> -> memref<10240x128xf32, #tpu.memory_space<vmem_shared>>
      tpu.enqueue_indirect_dma source(%arg10 : memref<128x128xf32, #tpu.memory_space<vmem>>) target(%dma_start3A_163 : memref<10240x128xf32, #tpu.memory_space<vmem_shared>>) offsets(%dma_start3A_160 : memref<128xi32, #tpu.memory_space<vmem>>) semaphore(%run_scoped3A_157 : memref<!tpu.dma_semaphore, #tpu.memory_space<semaphore_mem>>) {add = true}
      %dma_wait3A_164 = arith.constant 0 : i32
      %dma_wait3A_165 = tpu.memref_slice %arg6[%run_scoped3A_127, %dma_wait3A_164] : memref<2x128xi32, #tpu.memory_space<vmem>> -> memref<1x128xi32, #tpu.memory_space<vmem>>
      %dma_wait3A_166 = tpu.memref_squeeze %dma_wait3A_165 : memref<1x128xi32, #tpu.memory_space<vmem>> -> memref<128xi32, #tpu.memory_space<vmem>>
      %dma_wait3A_167 = arith.constant 0 : i32
      %dma_wait3A_168 = arith.constant 0 : i32
      %dma_wait3A_169 = tpu.memref_slice %arg11[%dma_wait3A_167, %dma_wait3A_168] : memref<10240x128xf32, #tpu.memory_space<vmem_shared>> -> memref<10240x128xf32, #tpu.memory_space<vmem_shared>>
      tpu.wait_indirect_dma semaphore(%run_scoped3A_157 : memref<!tpu.dma_semaphore, #tpu.memory_space<semaphore_mem>>) src(%arg10 : memref<128x128xf32, #tpu.memory_space<vmem>>) dst(%dma_wait3A_169 : memref<10240x128xf32, #tpu.memory_space<vmem_shared>>)
      tpu.yield
    }) : () -> ()
    %min3A_128 = arith.constant 0 : i32
    %min3A_129 = arith.constant 77 : i32
    %min3A_130 = arith.minsi %min3A_128, %min3A_129 : i32
    %mul3A_131 = arith.constant 128 : i32
    %mul3A_132 = arith.muli %min3A_130, %mul3A_131 : i32
    %add3A_133 = arith.addi %mul3A_4, %mul3A_132 : i32
    %multiple_of3A_134 = tpu.assume_multiple %add3A_133, 128 : i32
    %dma_wait3A_135 = arith.constant 0 : i32
    %dma_wait3A_136 = tpu.memref_slice %arg3[%dma_wait3A_135, %multiple_of3A_134] : memref<2x320000xi32, #tpu.memory_space<hbm>> -> memref<2x128xi32, #tpu.memory_space<hbm>>
    %dma_wait3A_137 = arith.constant 0 : i32
    %dma_wait3A_138 = tpu.memref_slice %arg3[%dma_wait3A_137, %multiple_of3A_134] : memref<2x320000xi32, #tpu.memory_space<hbm>> -> memref<2x128xi32, #tpu.memory_space<hbm>>
    tpu.wait_dma2 semaphore(%arg16 : memref<!tpu.dma_semaphore, #tpu.memory_space<semaphore_mem>>) src(%dma_wait3A_138 : memref<2x128xi32, #tpu.memory_space<hbm>>) dst(%arg7 : memref<2x128xi32, #tpu.memory_space<vmem>>)
    %min3A_139 = arith.constant 0 : i32
    %min3A_140 = arith.constant 77 : i32
    %min3A_141 = arith.minsi %min3A_139, %min3A_140 : i32
    %mul3A_142 = arith.constant 128 : i32
    %mul3A_143 = arith.muli %min3A_141, %mul3A_142 : i32
    %add3A_144 = arith.addi %mul3A_4, %mul3A_143 : i32
    %multiple_of3A_145 = tpu.assume_multiple %add3A_144, 128 : i32
    %dma_wait3A_146 = arith.constant 0 : i32
    %dma_wait3A_147 = tpu.memref_slice %arg3[%dma_wait3A_146, %multiple_of3A_145] : memref<2x320000xi32, #tpu.memory_space<hbm>> -> memref<2x128xi32, #tpu.memory_space<hbm>>
    %dma_wait3A_148 = arith.constant 0 : i32
    %dma_wait3A_149 = tpu.memref_slice %arg3[%dma_wait3A_148, %multiple_of3A_145] : memref<2x320000xi32, #tpu.memory_space<hbm>> -> memref<2x128xi32, #tpu.memory_space<hbm>>
    tpu.wait_dma2 semaphore(%arg17 : memref<!tpu.dma_semaphore, #tpu.memory_space<semaphore_mem>>) src(%dma_wait3A_149 : memref<2x128xi32, #tpu.memory_space<hbm>>) dst(%arg8 : memref<2x128xi32, #tpu.memory_space<vmem>>)
    %lt3A = arith.constant 4 : i32
    %lt3A_150 = arith.cmpi slt, %add3A, %lt3A : i32
    %convert_element_type3A = arith.extui %lt3A_150 : i1 to i32
    %cond3A = arith.constant 0 : i32
    %cond3A_151 = arith.cmpi ne, %convert_element_type3A, %cond3A : i32
    scf.if %cond3A_151 {
      %mul3A_157 = arith.constant 128 : i32
      %mul3A_158 = arith.muli %add3A, %mul3A_157 : i32
      %add3A_159 = arith.constant 319488 : i32
      %add3A_160 = arith.addi %add3A_159, %mul3A_158 : i32
      "tpu.region"() ({
        %run_scoped3A_163 = tpu.sem_alloc : memref<!tpu.dma_semaphore, #tpu.memory_space<semaphore_mem>>
        %dma_start3A_164 = arith.constant 0 : i32
        %dma_start3A_165 = tpu.memref_slice %arg3[%dma_start3A_164, %add3A_160] : memref<2x320000xi32, #tpu.memory_space<hbm>> -> memref<2x128xi32, #tpu.memory_space<hbm>>
        %dma_start3A_166 = arith.constant 0 : i32
        %dma_start3A_167 = tpu.memref_slice %arg3[%dma_start3A_166, %add3A_160] : memref<2x320000xi32, #tpu.memory_space<hbm>> -> memref<2x128xi32, #tpu.memory_space<hbm>>
        tpu.enqueue_dma source(%dma_start3A_167 : memref<2x128xi32, #tpu.memory_space<hbm>>) target(%arg7 : memref<2x128xi32, #tpu.memory_space<vmem>>) target_semaphore(%run_scoped3A_163 : memref<!tpu.dma_semaphore, #tpu.memory_space<semaphore_mem>>)
        %dma_wait3A_168 = arith.constant 0 : i32
        %dma_wait3A_169 = tpu.memref_slice %arg3[%dma_wait3A_168, %add3A_160] : memref<2x320000xi32, #tpu.memory_space<hbm>> -> memref<2x128xi32, #tpu.memory_space<hbm>>
        %dma_wait3A_170 = arith.constant 0 : i32
        %dma_wait3A_171 = tpu.memref_slice %arg3[%dma_wait3A_170, %add3A_160] : memref<2x320000xi32, #tpu.memory_space<hbm>> -> memref<2x128xi32, #tpu.memory_space<hbm>>
        tpu.wait_dma2 semaphore(%run_scoped3A_163 : memref<!tpu.dma_semaphore, #tpu.memory_space<semaphore_mem>>) src(%dma_wait3A_171 : memref<2x128xi32, #tpu.memory_space<hbm>>) dst(%arg7 : memref<2x128xi32, #tpu.memory_space<vmem>>)
        tpu.yield
      }) : () -> ()
      %run_scoped3A_161 = arith.constant 0 : i32
      "tpu.region"() ({
        %run_scoped3A_163 = tpu.sem_alloc : memref<!tpu.dma_semaphore, #tpu.memory_space<semaphore_mem>>
        %dma_start3A_164 = arith.constant 0 : i32
        %dma_start3A_165 = tpu.memref_slice %arg7[%run_scoped3A_161, %dma_start3A_164] : memref<2x128xi32, #tpu.memory_space<vmem>> -> memref<1x128xi32, #tpu.memory_space<vmem>>
        %dma_start3A_166 = tpu.memref_squeeze %dma_start3A_165 : memref<1x128xi32, #tpu.memory_space<vmem>> -> memref<128xi32, #tpu.memory_space<vmem>>
        %dma_start3A_167 = arith.constant 0 : i32
        %dma_start3A_168 = arith.constant 0 : i32
        %dma_start3A_169 = tpu.memref_slice %arg2[%dma_start3A_167, %dma_start3A_168] : memref<10000x128xf32, #tpu.memory_space<hbm>> -> memref<10000x128xf32, #tpu.memory_space<hbm>>
        tpu.enqueue_indirect_dma source(%dma_start3A_169 : memref<10000x128xf32, #tpu.memory_space<hbm>>) target(%arg9 : memref<128x128xf32, #tpu.memory_space<vmem>>) offsets(%dma_start3A_166 : memref<128xi32, #tpu.memory_space<vmem>>) semaphore(%run_scoped3A_163 : memref<!tpu.dma_semaphore, #tpu.memory_space<semaphore_mem>>)
        %dma_wait3A_170 = arith.constant 0 : i32
        %dma_wait3A_171 = tpu.memref_slice %arg7[%run_scoped3A_161, %dma_wait3A_170] : memref<2x128xi32, #tpu.memory_space<vmem>> -> memref<1x128xi32, #tpu.memory_space<vmem>>
        %dma_wait3A_172 = tpu.memref_squeeze %dma_wait3A_171 : memref<1x128xi32, #tpu.memory_space<vmem>> -> memref<128xi32, #tpu.memory_space<vmem>>
        %dma_wait3A_173 = arith.constant 0 : i32
        %dma_wait3A_174 = arith.constant 0 : i32
        %dma_wait3A_175 = tpu.memref_slice %arg2[%dma_wait3A_173, %dma_wait3A_174] : memref<10000x128xf32, #tpu.memory_space<hbm>> -> memref<10000x128xf32, #tpu.memory_space<hbm>>
        tpu.wait_indirect_dma semaphore(%run_scoped3A_163 : memref<!tpu.dma_semaphore, #tpu.memory_space<semaphore_mem>>) src(%dma_wait3A_175 : memref<10000x128xf32, #tpu.memory_space<hbm>>) dst(%arg9 : memref<128x128xf32, #tpu.memory_space<vmem>>)
        tpu.yield
      }) : () -> ()
      %run_scoped3A_162 = arith.constant 1 : i32
      "tpu.region"() ({
        %run_scoped3A_163 = tpu.sem_alloc : memref<!tpu.dma_semaphore, #tpu.memory_space<semaphore_mem>>
        %dma_start3A_164 = arith.constant 0 : i32
        %dma_start3A_165 = tpu.memref_slice %arg7[%run_scoped3A_162, %dma_start3A_164] : memref<2x128xi32, #tpu.memory_space<vmem>> -> memref<1x128xi32, #tpu.memory_space<vmem>>
        %dma_start3A_166 = tpu.memref_squeeze %dma_start3A_165 : memref<1x128xi32, #tpu.memory_space<vmem>> -> memref<128xi32, #tpu.memory_space<vmem>>
        %dma_start3A_167 = arith.constant 0 : i32
        %dma_start3A_168 = arith.constant 0 : i32
        %dma_start3A_169 = tpu.memref_slice %arg11[%dma_start3A_167, %dma_start3A_168] : memref<10240x128xf32, #tpu.memory_space<vmem_shared>> -> memref<10240x128xf32, #tpu.memory_space<vmem_shared>>
        tpu.enqueue_indirect_dma source(%arg9 : memref<128x128xf32, #tpu.memory_space<vmem>>) target(%dma_start3A_169 : memref<10240x128xf32, #tpu.memory_space<vmem_shared>>) offsets(%dma_start3A_166 : memref<128xi32, #tpu.memory_space<vmem>>) semaphore(%run_scoped3A_163 : memref<!tpu.dma_semaphore, #tpu.memory_space<semaphore_mem>>) {add = true}
        %dma_wait3A_170 = arith.constant 0 : i32
        %dma_wait3A_171 = tpu.memref_slice %arg7[%run_scoped3A_162, %dma_wait3A_170] : memref<2x128xi32, #tpu.memory_space<vmem>> -> memref<1x128xi32, #tpu.memory_space<vmem>>
        %dma_wait3A_172 = tpu.memref_squeeze %dma_wait3A_171 : memref<1x128xi32, #tpu.memory_space<vmem>> -> memref<128xi32, #tpu.memory_space<vmem>>
        %dma_wait3A_173 = arith.constant 0 : i32
        %dma_wait3A_174 = arith.constant 0 : i32
        %dma_wait3A_175 = tpu.memref_slice %arg11[%dma_wait3A_173, %dma_wait3A_174] : memref<10240x128xf32, #tpu.memory_space<vmem_shared>> -> memref<10240x128xf32, #tpu.memory_space<vmem_shared>>
        tpu.wait_indirect_dma semaphore(%run_scoped3A_163 : memref<!tpu.dma_semaphore, #tpu.memory_space<semaphore_mem>>) src(%arg9 : memref<128x128xf32, #tpu.memory_space<vmem>>) dst(%dma_wait3A_175 : memref<10240x128xf32, #tpu.memory_space<vmem_shared>>)
        tpu.yield
      }) : () -> ()
    } else {
    }
    %barrier3A_152 = arith.constant 0 : index
    tpu.barrier barrier_id(%barrier3A_152)
    %mul3A_153 = arith.constant 640 : i32
    %mul3A_154 = arith.muli %arg1, %mul3A_153 : i32
    %mul3A_155 = arith.constant 640 : i32
    %mul3A_156 = arith.muli %arg1, %mul3A_155 : i32
    "tpu.region"() ({
      %run_scoped3A_157 = tpu.sem_alloc : memref<!tpu.dma_semaphore, #tpu.memory_space<semaphore_mem>>
      %dma_start3A_158 = arith.constant 0 : i32
      %dma_start3A_159 = tpu.memref_slice %arg4[%arg0, %mul3A_156, %dma_start3A_158] : memref<2x10240x128xf32, #tpu.memory_space<hbm>> -> memref<1x640x128xf32, #tpu.memory_space<hbm>>
      %dma_start3A_160 = tpu.memref_squeeze %dma_start3A_159 : memref<1x640x128xf32, #tpu.memory_space<hbm>> -> memref<640x128xf32, #tpu.memory_space<hbm>>
      %dma_start3A_161 = arith.constant 0 : i32
      %dma_start3A_162 = tpu.memref_slice %arg11[%mul3A_154, %dma_start3A_161] : memref<10240x128xf32, #tpu.memory_space<vmem_shared>> -> memref<640x128xf32, #tpu.memory_space<vmem_shared>>
      tpu.enqueue_dma source(%dma_start3A_162 : memref<640x128xf32, #tpu.memory_space<vmem_shared>>) target(%dma_start3A_160 : memref<640x128xf32, #tpu.memory_space<hbm>>) target_semaphore(%run_scoped3A_157 : memref<!tpu.dma_semaphore, #tpu.memory_space<semaphore_mem>>)
      %dma_wait3A_163 = arith.constant 0 : i32
      %dma_wait3A_164 = tpu.memref_slice %arg4[%arg0, %mul3A_156, %dma_wait3A_163] : memref<2x10240x128xf32, #tpu.memory_space<hbm>> -> memref<1x640x128xf32, #tpu.memory_space<hbm>>
      %dma_wait3A_165 = tpu.memref_squeeze %dma_wait3A_164 : memref<1x640x128xf32, #tpu.memory_space<hbm>> -> memref<640x128xf32, #tpu.memory_space<hbm>>
      %dma_wait3A_166 = arith.constant 0 : i32
      %dma_wait3A_167 = tpu.memref_slice %arg11[%mul3A_154, %dma_wait3A_166] : memref<10240x128xf32, #tpu.memory_space<vmem_shared>> -> memref<640x128xf32, #tpu.memory_space<vmem_shared>>
      tpu.wait_dma2 semaphore(%run_scoped3A_157 : memref<!tpu.dma_semaphore, #tpu.memory_space<semaphore_mem>>) src(%dma_wait3A_167 : memref<640x128xf32, #tpu.memory_space<vmem_shared>>) dst(%dma_wait3A_165 : memref<640x128xf32, #tpu.memory_space<hbm>>)
      tpu.yield
    }) : () -> ()
    return
  }
}

#map = affine_map<(d0, d1) -> (0, 0)>
module attributes {stable_mosaic.version = 14 : i64} {
  func.func @_deg_body(%arg0: i32, %arg1: i32, %arg2: memref<2x320000xi32, #tpu.memory_space<hbm>>, %arg3: memref<2x10240xf32, #tpu.memory_space<hbm>>, %arg4: memref<79x2x128xi32, #tpu.memory_space<vmem>>, %arg5: memref<128xf32, #tpu.memory_space<vmem>>, %arg6: memref<640xf32, #tpu.memory_space<vmem>>, %arg7: memref<10240xf32, #tpu.memory_space<vmem_shared>>, %arg8: memref<!tpu.dma_semaphore, #tpu.memory_space<semaphore_mem>>, %arg9: memref<!tpu.dma_semaphore, #tpu.memory_space<semaphore_mem>>) attributes {dimension_semantics = [#tpu.dimension_semantics<core_parallel>, #tpu.dimension_semantics<subcore_parallel>], iteration_bounds = array<i64: 2, 16>, scalar_prefetch = 0 : i64, scratch_operands = 6 : i64, tpu.core_type = #tpu.core_type<sc_vector_subcore>, window_params = [{transform_indices = #map}, {transform_indices = #map}]} {
    %mul3A = arith.constant 16 : i32
    %mul3A_0 = arith.muli %arg0, %mul3A : i32
    %add3A = arith.addi %mul3A_0, %arg1 : i32
    %mul3A_1 = arith.constant 78 : i32
    %mul3A_2 = arith.muli %add3A, %mul3A_1 : i32
    %mul3A_3 = arith.constant 128 : i32
    %mul3A_4 = arith.muli %mul3A_2, %mul3A_3 : i32
    %broadcast_in_dim3A = arith.constant 0.000000e+00 : f32
    %broadcast_in_dim3A_5 = vector.broadcast %broadcast_in_dim3A : f32 to vector<16xf32>
    %broadcast_in_dim3A_6 = arith.constant 1.000000e+00 : f32
    %broadcast_in_dim3A_7 = vector.broadcast %broadcast_in_dim3A_6 : f32 to vector<16xf32>
    %swap3A = arith.constant 0 : index
    %swap3A_8 = tpu.vector_load %arg6[%swap3A] {strides = array<i32>} : memref<640xf32, #tpu.memory_space<vmem>>, vector<16xf32>,
    %swap3A_9 = vector.shape_cast %swap3A_8 : vector<16xf32> to vector<16xf32>
    %swap3A_10 = vector.shape_cast %broadcast_in_dim3A_5 : vector<16xf32> to vector<16xf32>
    tpu.vector_store %arg6[%swap3A], %swap3A_10 {strides = array<i32>} : memref<640xf32, #tpu.memory_space<vmem>>, vector<16xf32>,
    %swap3A_11 = arith.constant 16 : index
    %swap3A_12 = tpu.vector_load %arg6[%swap3A_11] {strides = array<i32>} : memref<640xf32, #tpu.memory_space<vmem>>, vector<16xf32>,
    %swap3A_13 = vector.shape_cast %swap3A_12 : vector<16xf32> to vector<16xf32>
    %swap3A_14 = vector.shape_cast %broadcast_in_dim3A_5 : vector<16xf32> to vector<16xf32>
    tpu.vector_store %arg6[%swap3A_11], %swap3A_14 {strides = array<i32>} : memref<640xf32, #tpu.memory_space<vmem>>, vector<16xf32>,
    %swap3A_15 = arith.constant 32 : index
    %swap3A_16 = tpu.vector_load %arg6[%swap3A_15] {strides = array<i32>} : memref<640xf32, #tpu.memory_space<vmem>>, vector<16xf32>,
    %swap3A_17 = vector.shape_cast %swap3A_16 : vector<16xf32> to vector<16xf32>
    %swap3A_18 = vector.shape_cast %broadcast_in_dim3A_5 : vector<16xf32> to vector<16xf32>
    tpu.vector_store %arg6[%swap3A_15], %swap3A_18 {strides = array<i32>} : memref<640xf32, #tpu.memory_space<vmem>>, vector<16xf32>,
    %swap3A_19 = arith.constant 48 : index
    %swap3A_20 = tpu.vector_load %arg6[%swap3A_19] {strides = array<i32>} : memref<640xf32, #tpu.memory_space<vmem>>, vector<16xf32>,
    %swap3A_21 = vector.shape_cast %swap3A_20 : vector<16xf32> to vector<16xf32>
    %swap3A_22 = vector.shape_cast %broadcast_in_dim3A_5 : vector<16xf32> to vector<16xf32>
    tpu.vector_store %arg6[%swap3A_19], %swap3A_22 {strides = array<i32>} : memref<640xf32, #tpu.memory_space<vmem>>, vector<16xf32>,
    %swap3A_23 = arith.constant 64 : index
    %swap3A_24 = tpu.vector_load %arg6[%swap3A_23] {strides = array<i32>} : memref<640xf32, #tpu.memory_space<vmem>>, vector<16xf32>,
    %swap3A_25 = vector.shape_cast %swap3A_24 : vector<16xf32> to vector<16xf32>
    %swap3A_26 = vector.shape_cast %broadcast_in_dim3A_5 : vector<16xf32> to vector<16xf32>
    tpu.vector_store %arg6[%swap3A_23], %swap3A_26 {strides = array<i32>} : memref<640xf32, #tpu.memory_space<vmem>>, vector<16xf32>,
    %swap3A_27 = arith.constant 80 : index
    %swap3A_28 = tpu.vector_load %arg6[%swap3A_27] {strides = array<i32>} : memref<640xf32, #tpu.memory_space<vmem>>, vector<16xf32>,
    %swap3A_29 = vector.shape_cast %swap3A_28 : vector<16xf32> to vector<16xf32>
    %swap3A_30 = vector.shape_cast %broadcast_in_dim3A_5 : vector<16xf32> to vector<16xf32>
    tpu.vector_store %arg6[%swap3A_27], %swap3A_30 {strides = array<i32>} : memref<640xf32, #tpu.memory_space<vmem>>, vector<16xf32>,
    %swap3A_31 = arith.constant 96 : index
    %swap3A_32 = tpu.vector_load %arg6[%swap3A_31] {strides = array<i32>} : memref<640xf32, #tpu.memory_space<vmem>>, vector<16xf32>,
    %swap3A_33 = vector.shape_cast %swap3A_32 : vector<16xf32> to vector<16xf32>
    %swap3A_34 = vector.shape_cast %broadcast_in_dim3A_5 : vector<16xf32> to vector<16xf32>
    tpu.vector_store %arg6[%swap3A_31], %swap3A_34 {strides = array<i32>} : memref<640xf32, #tpu.memory_space<vmem>>, vector<16xf32>,
    %swap3A_35 = arith.constant 112 : index
    %swap3A_36 = tpu.vector_load %arg6[%swap3A_35] {strides = array<i32>} : memref<640xf32, #tpu.memory_space<vmem>>, vector<16xf32>,
    %swap3A_37 = vector.shape_cast %swap3A_36 : vector<16xf32> to vector<16xf32>
    %swap3A_38 = vector.shape_cast %broadcast_in_dim3A_5 : vector<16xf32> to vector<16xf32>
    tpu.vector_store %arg6[%swap3A_35], %swap3A_38 {strides = array<i32>} : memref<640xf32, #tpu.memory_space<vmem>>, vector<16xf32>,
    %swap3A_39 = arith.constant 128 : index
    %swap3A_40 = tpu.vector_load %arg6[%swap3A_39] {strides = array<i32>} : memref<640xf32, #tpu.memory_space<vmem>>, vector<16xf32>,
    %swap3A_41 = vector.shape_cast %swap3A_40 : vector<16xf32> to vector<16xf32>
    %swap3A_42 = vector.shape_cast %broadcast_in_dim3A_5 : vector<16xf32> to vector<16xf32>
    tpu.vector_store %arg6[%swap3A_39], %swap3A_42 {strides = array<i32>} : memref<640xf32, #tpu.memory_space<vmem>>, vector<16xf32>,
    %swap3A_43 = arith.constant 144 : index
    %swap3A_44 = tpu.vector_load %arg6[%swap3A_43] {strides = array<i32>} : memref<640xf32, #tpu.memory_space<vmem>>, vector<16xf32>,
    %swap3A_45 = vector.shape_cast %swap3A_44 : vector<16xf32> to vector<16xf32>
    %swap3A_46 = vector.shape_cast %broadcast_in_dim3A_5 : vector<16xf32> to vector<16xf32>
    tpu.vector_store %arg6[%swap3A_43], %swap3A_46 {strides = array<i32>} : memref<640xf32, #tpu.memory_space<vmem>>, vector<16xf32>,
    %swap3A_47 = arith.constant 160 : index
    %swap3A_48 = tpu.vector_load %arg6[%swap3A_47] {strides = array<i32>} : memref<640xf32, #tpu.memory_space<vmem>>, vector<16xf32>,
    %swap3A_49 = vector.shape_cast %swap3A_48 : vector<16xf32> to vector<16xf32>
    %swap3A_50 = vector.shape_cast %broadcast_in_dim3A_5 : vector<16xf32> to vector<16xf32>
    tpu.vector_store %arg6[%swap3A_47], %swap3A_50 {strides = array<i32>} : memref<640xf32, #tpu.memory_space<vmem>>, vector<16xf32>,
    %swap3A_51 = arith.constant 176 : index
    %swap3A_52 = tpu.vector_load %arg6[%swap3A_51] {strides = array<i32>} : memref<640xf32, #tpu.memory_space<vmem>>, vector<16xf32>,
    %swap3A_53 = vector.shape_cast %swap3A_52 : vector<16xf32> to vector<16xf32>
    %swap3A_54 = vector.shape_cast %broadcast_in_dim3A_5 : vector<16xf32> to vector<16xf32>
    tpu.vector_store %arg6[%swap3A_51], %swap3A_54 {strides = array<i32>} : memref<640xf32, #tpu.memory_space<vmem>>, vector<16xf32>,
    %swap3A_55 = arith.constant 192 : index
    %swap3A_56 = tpu.vector_load %arg6[%swap3A_55] {strides = array<i32>} : memref<640xf32, #tpu.memory_space<vmem>>, vector<16xf32>,
    %swap3A_57 = vector.shape_cast %swap3A_56 : vector<16xf32> to vector<16xf32>
    %swap3A_58 = vector.shape_cast %broadcast_in_dim3A_5 : vector<16xf32> to vector<16xf32>
    tpu.vector_store %arg6[%swap3A_55], %swap3A_58 {strides = array<i32>} : memref<640xf32, #tpu.memory_space<vmem>>, vector<16xf32>,
    %swap3A_59 = arith.constant 208 : index
    %swap3A_60 = tpu.vector_load %arg6[%swap3A_59] {strides = array<i32>} : memref<640xf32, #tpu.memory_space<vmem>>, vector<16xf32>,
    %swap3A_61 = vector.shape_cast %swap3A_60 : vector<16xf32> to vector<16xf32>
    %swap3A_62 = vector.shape_cast %broadcast_in_dim3A_5 : vector<16xf32> to vector<16xf32>
    tpu.vector_store %arg6[%swap3A_59], %swap3A_62 {strides = array<i32>} : memref<640xf32, #tpu.memory_space<vmem>>, vector<16xf32>,
    %swap3A_63 = arith.constant 224 : index
    %swap3A_64 = tpu.vector_load %arg6[%swap3A_63] {strides = array<i32>} : memref<640xf32, #tpu.memory_space<vmem>>, vector<16xf32>,
    %swap3A_65 = vector.shape_cast %swap3A_64 : vector<16xf32> to vector<16xf32>
    %swap3A_66 = vector.shape_cast %broadcast_in_dim3A_5 : vector<16xf32> to vector<16xf32>
    tpu.vector_store %arg6[%swap3A_63], %swap3A_66 {strides = array<i32>} : memref<640xf32, #tpu.memory_space<vmem>>, vector<16xf32>,
    %swap3A_67 = arith.constant 240 : index
    %swap3A_68 = tpu.vector_load %arg6[%swap3A_67] {strides = array<i32>} : memref<640xf32, #tpu.memory_space<vmem>>, vector<16xf32>,
    %swap3A_69 = vector.shape_cast %swap3A_68 : vector<16xf32> to vector<16xf32>
    %swap3A_70 = vector.shape_cast %broadcast_in_dim3A_5 : vector<16xf32> to vector<16xf32>
    tpu.vector_store %arg6[%swap3A_67], %swap3A_70 {strides = array<i32>} : memref<640xf32, #tpu.memory_space<vmem>>, vector<16xf32>,
    %swap3A_71 = arith.constant 256 : index
    %swap3A_72 = tpu.vector_load %arg6[%swap3A_71] {strides = array<i32>} : memref<640xf32, #tpu.memory_space<vmem>>, vector<16xf32>,
    %swap3A_73 = vector.shape_cast %swap3A_72 : vector<16xf32> to vector<16xf32>
    %swap3A_74 = vector.shape_cast %broadcast_in_dim3A_5 : vector<16xf32> to vector<16xf32>
    tpu.vector_store %arg6[%swap3A_71], %swap3A_74 {strides = array<i32>} : memref<640xf32, #tpu.memory_space<vmem>>, vector<16xf32>,
    %swap3A_75 = arith.constant 272 : index
    %swap3A_76 = tpu.vector_load %arg6[%swap3A_75] {strides = array<i32>} : memref<640xf32, #tpu.memory_space<vmem>>, vector<16xf32>,
    %swap3A_77 = vector.shape_cast %swap3A_76 : vector<16xf32> to vector<16xf32>
    %swap3A_78 = vector.shape_cast %broadcast_in_dim3A_5 : vector<16xf32> to vector<16xf32>
    tpu.vector_store %arg6[%swap3A_75], %swap3A_78 {strides = array<i32>} : memref<640xf32, #tpu.memory_space<vmem>>, vector<16xf32>,
    %swap3A_79 = arith.constant 288 : index
    %swap3A_80 = tpu.vector_load %arg6[%swap3A_79] {strides = array<i32>} : memref<640xf32, #tpu.memory_space<vmem>>, vector<16xf32>,
    %swap3A_81 = vector.shape_cast %swap3A_80 : vector<16xf32> to vector<16xf32>
    %swap3A_82 = vector.shape_cast %broadcast_in_dim3A_5 : vector<16xf32> to vector<16xf32>
    tpu.vector_store %arg6[%swap3A_79], %swap3A_82 {strides = array<i32>} : memref<640xf32, #tpu.memory_space<vmem>>, vector<16xf32>,
    %swap3A_83 = arith.constant 304 : index
    %swap3A_84 = tpu.vector_load %arg6[%swap3A_83] {strides = array<i32>} : memref<640xf32, #tpu.memory_space<vmem>>, vector<16xf32>,
    %swap3A_85 = vector.shape_cast %swap3A_84 : vector<16xf32> to vector<16xf32>
    %swap3A_86 = vector.shape_cast %broadcast_in_dim3A_5 : vector<16xf32> to vector<16xf32>
    tpu.vector_store %arg6[%swap3A_83], %swap3A_86 {strides = array<i32>} : memref<640xf32, #tpu.memory_space<vmem>>, vector<16xf32>,
    %swap3A_87 = arith.constant 320 : index
    %swap3A_88 = tpu.vector_load %arg6[%swap3A_87] {strides = array<i32>} : memref<640xf32, #tpu.memory_space<vmem>>, vector<16xf32>,
    %swap3A_89 = vector.shape_cast %swap3A_88 : vector<16xf32> to vector<16xf32>
    %swap3A_90 = vector.shape_cast %broadcast_in_dim3A_5 : vector<16xf32> to vector<16xf32>
    tpu.vector_store %arg6[%swap3A_87], %swap3A_90 {strides = array<i32>} : memref<640xf32, #tpu.memory_space<vmem>>, vector<16xf32>,
    %swap3A_91 = arith.constant 336 : index
    %swap3A_92 = tpu.vector_load %arg6[%swap3A_91] {strides = array<i32>} : memref<640xf32, #tpu.memory_space<vmem>>, vector<16xf32>,
    %swap3A_93 = vector.shape_cast %swap3A_92 : vector<16xf32> to vector<16xf32>
    %swap3A_94 = vector.shape_cast %broadcast_in_dim3A_5 : vector<16xf32> to vector<16xf32>
    tpu.vector_store %arg6[%swap3A_91], %swap3A_94 {strides = array<i32>} : memref<640xf32, #tpu.memory_space<vmem>>, vector<16xf32>,
    %swap3A_95 = arith.constant 352 : index
    %swap3A_96 = tpu.vector_load %arg6[%swap3A_95] {strides = array<i32>} : memref<640xf32, #tpu.memory_space<vmem>>, vector<16xf32>,
    %swap3A_97 = vector.shape_cast %swap3A_96 : vector<16xf32> to vector<16xf32>
    %swap3A_98 = vector.shape_cast %broadcast_in_dim3A_5 : vector<16xf32> to vector<16xf32>
    tpu.vector_store %arg6[%swap3A_95], %swap3A_98 {strides = array<i32>} : memref<640xf32, #tpu.memory_space<vmem>>, vector<16xf32>,
    %swap3A_99 = arith.constant 368 : index
    %swap3A_100 = tpu.vector_load %arg6[%swap3A_99] {strides = array<i32>} : memref<640xf32, #tpu.memory_space<vmem>>, vector<16xf32>,
    %swap3A_101 = vector.shape_cast %swap3A_100 : vector<16xf32> to vector<16xf32>
    %swap3A_102 = vector.shape_cast %broadcast_in_dim3A_5 : vector<16xf32> to vector<16xf32>
    tpu.vector_store %arg6[%swap3A_99], %swap3A_102 {strides = array<i32>} : memref<640xf32, #tpu.memory_space<vmem>>, vector<16xf32>,
    %swap3A_103 = arith.constant 384 : index
    %swap3A_104 = tpu.vector_load %arg6[%swap3A_103] {strides = array<i32>} : memref<640xf32, #tpu.memory_space<vmem>>, vector<16xf32>,
    %swap3A_105 = vector.shape_cast %swap3A_104 : vector<16xf32> to vector<16xf32>
    %swap3A_106 = vector.shape_cast %broadcast_in_dim3A_5 : vector<16xf32> to vector<16xf32>
    tpu.vector_store %arg6[%swap3A_103], %swap3A_106 {strides = array<i32>} : memref<640xf32, #tpu.memory_space<vmem>>, vector<16xf32>,
    %swap3A_107 = arith.constant 400 : index
    %swap3A_108 = tpu.vector_load %arg6[%swap3A_107] {strides = array<i32>} : memref<640xf32, #tpu.memory_space<vmem>>, vector<16xf32>,
    %swap3A_109 = vector.shape_cast %swap3A_108 : vector<16xf32> to vector<16xf32>
    %swap3A_110 = vector.shape_cast %broadcast_in_dim3A_5 : vector<16xf32> to vector<16xf32>
    tpu.vector_store %arg6[%swap3A_107], %swap3A_110 {strides = array<i32>} : memref<640xf32, #tpu.memory_space<vmem>>, vector<16xf32>,
    %swap3A_111 = arith.constant 416 : index
    %swap3A_112 = tpu.vector_load %arg6[%swap3A_111] {strides = array<i32>} : memref<640xf32, #tpu.memory_space<vmem>>, vector<16xf32>,
    %swap3A_113 = vector.shape_cast %swap3A_112 : vector<16xf32> to vector<16xf32>
    %swap3A_114 = vector.shape_cast %broadcast_in_dim3A_5 : vector<16xf32> to vector<16xf32>
    tpu.vector_store %arg6[%swap3A_111], %swap3A_114 {strides = array<i32>} : memref<640xf32, #tpu.memory_space<vmem>>, vector<16xf32>,
    %swap3A_115 = arith.constant 432 : index
    %swap3A_116 = tpu.vector_load %arg6[%swap3A_115] {strides = array<i32>} : memref<640xf32, #tpu.memory_space<vmem>>, vector<16xf32>,
    %swap3A_117 = vector.shape_cast %swap3A_116 : vector<16xf32> to vector<16xf32>
    %swap3A_118 = vector.shape_cast %broadcast_in_dim3A_5 : vector<16xf32> to vector<16xf32>
    tpu.vector_store %arg6[%swap3A_115], %swap3A_118 {strides = array<i32>} : memref<640xf32, #tpu.memory_space<vmem>>, vector<16xf32>,
    %swap3A_119 = arith.constant 448 : index
    %swap3A_120 = tpu.vector_load %arg6[%swap3A_119] {strides = array<i32>} : memref<640xf32, #tpu.memory_space<vmem>>, vector<16xf32>,
    %swap3A_121 = vector.shape_cast %swap3A_120 : vector<16xf32> to vector<16xf32>
    %swap3A_122 = vector.shape_cast %broadcast_in_dim3A_5 : vector<16xf32> to vector<16xf32>
    tpu.vector_store %arg6[%swap3A_119], %swap3A_122 {strides = array<i32>} : memref<640xf32, #tpu.memory_space<vmem>>, vector<16xf32>,
    %swap3A_123 = arith.constant 464 : index
    %swap3A_124 = tpu.vector_load %arg6[%swap3A_123] {strides = array<i32>} : memref<640xf32, #tpu.memory_space<vmem>>, vector<16xf32>,
    %swap3A_125 = vector.shape_cast %swap3A_124 : vector<16xf32> to vector<16xf32>
    %swap3A_126 = vector.shape_cast %broadcast_in_dim3A_5 : vector<16xf32> to vector<16xf32>
    tpu.vector_store %arg6[%swap3A_123], %swap3A_126 {strides = array<i32>} : memref<640xf32, #tpu.memory_space<vmem>>, vector<16xf32>,
    %swap3A_127 = arith.constant 480 : index
    %swap3A_128 = tpu.vector_load %arg6[%swap3A_127] {strides = array<i32>} : memref<640xf32, #tpu.memory_space<vmem>>, vector<16xf32>,
    %swap3A_129 = vector.shape_cast %swap3A_128 : vector<16xf32> to vector<16xf32>
    %swap3A_130 = vector.shape_cast %broadcast_in_dim3A_5 : vector<16xf32> to vector<16xf32>
    tpu.vector_store %arg6[%swap3A_127], %swap3A_130 {strides = array<i32>} : memref<640xf32, #tpu.memory_space<vmem>>, vector<16xf32>,
    %swap3A_131 = arith.constant 496 : index
    %swap3A_132 = tpu.vector_load %arg6[%swap3A_131] {strides = array<i32>} : memref<640xf32, #tpu.memory_space<vmem>>, vector<16xf32>,
    %swap3A_133 = vector.shape_cast %swap3A_132 : vector<16xf32> to vector<16xf32>
    %swap3A_134 = vector.shape_cast %broadcast_in_dim3A_5 : vector<16xf32> to vector<16xf32>
    tpu.vector_store %arg6[%swap3A_131], %swap3A_134 {strides = array<i32>} : memref<640xf32, #tpu.memory_space<vmem>>, vector<16xf32>,
    %swap3A_135 = arith.constant 512 : index
    %swap3A_136 = tpu.vector_load %arg6[%swap3A_135] {strides = array<i32>} : memref<640xf32, #tpu.memory_space<vmem>>, vector<16xf32>,
    %swap3A_137 = vector.shape_cast %swap3A_136 : vector<16xf32> to vector<16xf32>
    %swap3A_138 = vector.shape_cast %broadcast_in_dim3A_5 : vector<16xf32> to vector<16xf32>
    tpu.vector_store %arg6[%swap3A_135], %swap3A_138 {strides = array<i32>} : memref<640xf32, #tpu.memory_space<vmem>>, vector<16xf32>,
    %swap3A_139 = arith.constant 528 : index
    %swap3A_140 = tpu.vector_load %arg6[%swap3A_139] {strides = array<i32>} : memref<640xf32, #tpu.memory_space<vmem>>, vector<16xf32>,
    %swap3A_141 = vector.shape_cast %swap3A_140 : vector<16xf32> to vector<16xf32>
    %swap3A_142 = vector.shape_cast %broadcast_in_dim3A_5 : vector<16xf32> to vector<16xf32>
    tpu.vector_store %arg6[%swap3A_139], %swap3A_142 {strides = array<i32>} : memref<640xf32, #tpu.memory_space<vmem>>, vector<16xf32>,
    %swap3A_143 = arith.constant 544 : index
    %swap3A_144 = tpu.vector_load %arg6[%swap3A_143] {strides = array<i32>} : memref<640xf32, #tpu.memory_space<vmem>>, vector<16xf32>,
    %swap3A_145 = vector.shape_cast %swap3A_144 : vector<16xf32> to vector<16xf32>
    %swap3A_146 = vector.shape_cast %broadcast_in_dim3A_5 : vector<16xf32> to vector<16xf32>
    tpu.vector_store %arg6[%swap3A_143], %swap3A_146 {strides = array<i32>} : memref<640xf32, #tpu.memory_space<vmem>>, vector<16xf32>,
    %swap3A_147 = arith.constant 560 : index
    %swap3A_148 = tpu.vector_load %arg6[%swap3A_147] {strides = array<i32>} : memref<640xf32, #tpu.memory_space<vmem>>, vector<16xf32>,
    %swap3A_149 = vector.shape_cast %swap3A_148 : vector<16xf32> to vector<16xf32>
    %swap3A_150 = vector.shape_cast %broadcast_in_dim3A_5 : vector<16xf32> to vector<16xf32>
    tpu.vector_store %arg6[%swap3A_147], %swap3A_150 {strides = array<i32>} : memref<640xf32, #tpu.memory_space<vmem>>, vector<16xf32>,
    %swap3A_151 = arith.constant 576 : index
    %swap3A_152 = tpu.vector_load %arg6[%swap3A_151] {strides = array<i32>} : memref<640xf32, #tpu.memory_space<vmem>>, vector<16xf32>,
    %swap3A_153 = vector.shape_cast %swap3A_152 : vector<16xf32> to vector<16xf32>
    %swap3A_154 = vector.shape_cast %broadcast_in_dim3A_5 : vector<16xf32> to vector<16xf32>
    tpu.vector_store %arg6[%swap3A_151], %swap3A_154 {strides = array<i32>} : memref<640xf32, #tpu.memory_space<vmem>>, vector<16xf32>,
    %swap3A_155 = arith.constant 592 : index
    %swap3A_156 = tpu.vector_load %arg6[%swap3A_155] {strides = array<i32>} : memref<640xf32, #tpu.memory_space<vmem>>, vector<16xf32>,
    %swap3A_157 = vector.shape_cast %swap3A_156 : vector<16xf32> to vector<16xf32>
    %swap3A_158 = vector.shape_cast %broadcast_in_dim3A_5 : vector<16xf32> to vector<16xf32>
    tpu.vector_store %arg6[%swap3A_155], %swap3A_158 {strides = array<i32>} : memref<640xf32, #tpu.memory_space<vmem>>, vector<16xf32>,
    %swap3A_159 = arith.constant 608 : index
    %swap3A_160 = tpu.vector_load %arg6[%swap3A_159] {strides = array<i32>} : memref<640xf32, #tpu.memory_space<vmem>>, vector<16xf32>,
    %swap3A_161 = vector.shape_cast %swap3A_160 : vector<16xf32> to vector<16xf32>
    %swap3A_162 = vector.shape_cast %broadcast_in_dim3A_5 : vector<16xf32> to vector<16xf32>
    tpu.vector_store %arg6[%swap3A_159], %swap3A_162 {strides = array<i32>} : memref<640xf32, #tpu.memory_space<vmem>>, vector<16xf32>,
    %swap3A_163 = arith.constant 624 : index
    %swap3A_164 = tpu.vector_load %arg6[%swap3A_163] {strides = array<i32>} : memref<640xf32, #tpu.memory_space<vmem>>, vector<16xf32>,
    %swap3A_165 = vector.shape_cast %swap3A_164 : vector<16xf32> to vector<16xf32>
    %swap3A_166 = vector.shape_cast %broadcast_in_dim3A_5 : vector<16xf32> to vector<16xf32>
    tpu.vector_store %arg6[%swap3A_163], %swap3A_166 {strides = array<i32>} : memref<640xf32, #tpu.memory_space<vmem>>, vector<16xf32>,
    %swap3A_167 = arith.constant 0 : index
    %swap3A_168 = tpu.vector_load %arg5[%swap3A_167] {strides = array<i32>} : memref<128xf32, #tpu.memory_space<vmem>>, vector<16xf32>,
    %swap3A_169 = vector.shape_cast %swap3A_168 : vector<16xf32> to vector<16xf32>
    %swap3A_170 = vector.shape_cast %broadcast_in_dim3A_7 : vector<16xf32> to vector<16xf32>
    tpu.vector_store %arg5[%swap3A_167], %swap3A_170 {strides = array<i32>} : memref<128xf32, #tpu.memory_space<vmem>>, vector<16xf32>,
    %swap3A_171 = arith.constant 16 : index
    %swap3A_172 = tpu.vector_load %arg5[%swap3A_171] {strides = array<i32>} : memref<128xf32, #tpu.memory_space<vmem>>, vector<16xf32>,
    %swap3A_173 = vector.shape_cast %swap3A_172 : vector<16xf32> to vector<16xf32>
    %swap3A_174 = vector.shape_cast %broadcast_in_dim3A_7 : vector<16xf32> to vector<16xf32>
    tpu.vector_store %arg5[%swap3A_171], %swap3A_174 {strides = array<i32>} : memref<128xf32, #tpu.memory_space<vmem>>, vector<16xf32>,
    %swap3A_175 = arith.constant 32 : index
    %swap3A_176 = tpu.vector_load %arg5[%swap3A_175] {strides = array<i32>} : memref<128xf32, #tpu.memory_space<vmem>>, vector<16xf32>,
    %swap3A_177 = vector.shape_cast %swap3A_176 : vector<16xf32> to vector<16xf32>
    %swap3A_178 = vector.shape_cast %broadcast_in_dim3A_7 : vector<16xf32> to vector<16xf32>
    tpu.vector_store %arg5[%swap3A_175], %swap3A_178 {strides = array<i32>} : memref<128xf32, #tpu.memory_space<vmem>>, vector<16xf32>,
    %swap3A_179 = arith.constant 48 : index
    %swap3A_180 = tpu.vector_load %arg5[%swap3A_179] {strides = array<i32>} : memref<128xf32, #tpu.memory_space<vmem>>, vector<16xf32>,
    %swap3A_181 = vector.shape_cast %swap3A_180 : vector<16xf32> to vector<16xf32>
    %swap3A_182 = vector.shape_cast %broadcast_in_dim3A_7 : vector<16xf32> to vector<16xf32>
    tpu.vector_store %arg5[%swap3A_179], %swap3A_182 {strides = array<i32>} : memref<128xf32, #tpu.memory_space<vmem>>, vector<16xf32>,
    %swap3A_183 = arith.constant 64 : index
    %swap3A_184 = tpu.vector_load %arg5[%swap3A_183] {strides = array<i32>} : memref<128xf32, #tpu.memory_space<vmem>>, vector<16xf32>,
    %swap3A_185 = vector.shape_cast %swap3A_184 : vector<16xf32> to vector<16xf32>
    %swap3A_186 = vector.shape_cast %broadcast_in_dim3A_7 : vector<16xf32> to vector<16xf32>
    tpu.vector_store %arg5[%swap3A_183], %swap3A_186 {strides = array<i32>} : memref<128xf32, #tpu.memory_space<vmem>>, vector<16xf32>,
    %swap3A_187 = arith.constant 80 : index
    %swap3A_188 = tpu.vector_load %arg5[%swap3A_187] {strides = array<i32>} : memref<128xf32, #tpu.memory_space<vmem>>, vector<16xf32>,
    %swap3A_189 = vector.shape_cast %swap3A_188 : vector<16xf32> to vector<16xf32>
    %swap3A_190 = vector.shape_cast %broadcast_in_dim3A_7 : vector<16xf32> to vector<16xf32>
    tpu.vector_store %arg5[%swap3A_187], %swap3A_190 {strides = array<i32>} : memref<128xf32, #tpu.memory_space<vmem>>, vector<16xf32>,
    %swap3A_191 = arith.constant 96 : index
    %swap3A_192 = tpu.vector_load %arg5[%swap3A_191] {strides = array<i32>} : memref<128xf32, #tpu.memory_space<vmem>>, vector<16xf32>,
    %swap3A_193 = vector.shape_cast %swap3A_192 : vector<16xf32> to vector<16xf32>
    %swap3A_194 = vector.shape_cast %broadcast_in_dim3A_7 : vector<16xf32> to vector<16xf32>
    tpu.vector_store %arg5[%swap3A_191], %swap3A_194 {strides = array<i32>} : memref<128xf32, #tpu.memory_space<vmem>>, vector<16xf32>,
    %swap3A_195 = arith.constant 112 : index
    %swap3A_196 = tpu.vector_load %arg5[%swap3A_195] {strides = array<i32>} : memref<128xf32, #tpu.memory_space<vmem>>, vector<16xf32>,
    %swap3A_197 = vector.shape_cast %swap3A_196 : vector<16xf32> to vector<16xf32>
    %swap3A_198 = vector.shape_cast %broadcast_in_dim3A_7 : vector<16xf32> to vector<16xf32>
    tpu.vector_store %arg5[%swap3A_195], %swap3A_198 {strides = array<i32>} : memref<128xf32, #tpu.memory_space<vmem>>, vector<16xf32>,
    %scan3A = arith.constant 0 : i32
    %scan3A_199 = arith.constant 0 : i32
    %scan3A_200 = arith.constant 78 : i32
    %scan3A_201 = arith.addi %scan3A_199, %scan3A_200 : i32
    %scan3A_202 = arith.constant 1 : i32
    scf.for %scan3A_246 = %scan3A_199 to %scan3A_201 step %scan3A_202  : i32 {
      %mul3A_247 = arith.constant 128 : i32
      %mul3A_248 = arith.muli %scan3A_246, %mul3A_247 : i32
      %add3A_249 = arith.addi %mul3A_4, %mul3A_248 : i32
      %multiple_of3A = tpu.assume_multiple %add3A_249, 128 : i32
      %dma_start3A = arith.constant 0 : i32
      %dma_start3A_250 = arith.constant 0 : i32
      %dma_start3A_251 = tpu.memref_slice %arg4[%scan3A_246, %dma_start3A, %dma_start3A_250] : memref<79x2x128xi32, #tpu.memory_space<vmem>> -> memref<1x2x128xi32, #tpu.memory_space<vmem>>
      %dma_start3A_252 = tpu.memref_squeeze %dma_start3A_251 : memref<1x2x128xi32, #tpu.memory_space<vmem>> -> memref<2x128xi32, #tpu.memory_space<vmem>>
      %dma_start3A_253 = arith.constant 0 : i32
      %dma_start3A_254 = tpu.memref_slice %arg2[%dma_start3A_253, %multiple_of3A] : memref<2x320000xi32, #tpu.memory_space<hbm>> -> memref<2x128xi32, #tpu.memory_space<hbm>>
      %dma_start3A_255 = arith.constant 0 : i32
      %dma_start3A_256 = arith.constant 0 : i32
      %dma_start3A_257 = tpu.memref_slice %arg4[%scan3A_246, %dma_start3A_255, %dma_start3A_256] : memref<79x2x128xi32, #tpu.memory_space<vmem>> -> memref<1x2x128xi32, #tpu.memory_space<vmem>>
      %dma_start3A_258 = tpu.memref_squeeze %dma_start3A_257 : memref<1x2x128xi32, #tpu.memory_space<vmem>> -> memref<2x128xi32, #tpu.memory_space<vmem>>
      %dma_start3A_259 = arith.constant 0 : i32
      %dma_start3A_260 = tpu.memref_slice %arg2[%dma_start3A_259, %multiple_of3A] : memref<2x320000xi32, #tpu.memory_space<hbm>> -> memref<2x128xi32, #tpu.memory_space<hbm>>
      tpu.enqueue_dma source(%dma_start3A_260 : memref<2x128xi32, #tpu.memory_space<hbm>>) target(%dma_start3A_258 : memref<2x128xi32, #tpu.memory_space<vmem>>) target_semaphore(%arg8 : memref<!tpu.dma_semaphore, #tpu.memory_space<semaphore_mem>>)
    }
    %scan3A_203 = arith.constant 78 : i32
    %lt3A = arith.constant 4 : i32
    %lt3A_204 = arith.cmpi slt, %add3A, %lt3A : i32
    %convert_element_type3A = arith.extui %lt3A_204 : i1 to i32
    %cond3A = arith.constant 0 : i32
    %cond3A_205 = arith.cmpi ne, %convert_element_type3A, %cond3A : i32
    scf.if %cond3A_205 {
      %mul3A_246 = arith.constant 128 : i32
      %mul3A_247 = arith.muli %add3A, %mul3A_246 : i32
      %add3A_248 = arith.constant 319488 : i32
      %add3A_249 = arith.addi %add3A_248, %mul3A_247 : i32
      %dma_start3A = arith.constant 78 : i32
      %dma_start3A_250 = arith.constant 0 : i32
      %dma_start3A_251 = arith.constant 0 : i32
      %dma_start3A_252 = tpu.memref_slice %arg4[%dma_start3A, %dma_start3A_250, %dma_start3A_251] : memref<79x2x128xi32, #tpu.memory_space<vmem>> -> memref<1x2x128xi32, #tpu.memory_space<vmem>>
      %dma_start3A_253 = tpu.memref_squeeze %dma_start3A_252 : memref<1x2x128xi32, #tpu.memory_space<vmem>> -> memref<2x128xi32, #tpu.memory_space<vmem>>
      %dma_start3A_254 = arith.constant 0 : i32
      %dma_start3A_255 = tpu.memref_slice %arg2[%dma_start3A_254, %add3A_249] : memref<2x320000xi32, #tpu.memory_space<hbm>> -> memref<2x128xi32, #tpu.memory_space<hbm>>
      %dma_start3A_256 = arith.constant 0 : i32
      %dma_start3A_257 = arith.constant 0 : i32
      %dma_start3A_258 = tpu.memref_slice %arg4[%dma_start3A, %dma_start3A_256, %dma_start3A_257] : memref<79x2x128xi32, #tpu.memory_space<vmem>> -> memref<1x2x128xi32, #tpu.memory_space<vmem>>
      %dma_start3A_259 = tpu.memref_squeeze %dma_start3A_258 : memref<1x2x128xi32, #tpu.memory_space<vmem>> -> memref<2x128xi32, #tpu.memory_space<vmem>>
      %dma_start3A_260 = arith.constant 0 : i32
      %dma_start3A_261 = tpu.memref_slice %arg2[%dma_start3A_260, %add3A_249] : memref<2x320000xi32, #tpu.memory_space<hbm>> -> memref<2x128xi32, #tpu.memory_space<hbm>>
      tpu.enqueue_dma source(%dma_start3A_261 : memref<2x128xi32, #tpu.memory_space<hbm>>) target(%dma_start3A_259 : memref<2x128xi32, #tpu.memory_space<vmem>>) target_semaphore(%arg8 : memref<!tpu.dma_semaphore, #tpu.memory_space<semaphore_mem>>)
    } else {
    }
    %mul3A_206 = arith.constant 640 : i32
    %mul3A_207 = arith.muli %arg1, %mul3A_206 : i32
    "tpu.region"() ({
      %run_scoped3A = tpu.sem_alloc : memref<!tpu.dma_semaphore, #tpu.memory_space<semaphore_mem>>
      %dma_start3A = tpu.memref_slice %arg7[%mul3A_207] : memref<10240xf32, #tpu.memory_space<vmem_shared>> -> memref<640xf32, #tpu.memory_space<vmem_shared>>
      %dma_start3A_246 = tpu.memref_slice %arg7[%mul3A_207] : memref<10240xf32, #tpu.memory_space<vmem_shared>> -> memref<640xf32, #tpu.memory_space<vmem_shared>>
      tpu.enqueue_dma source(%arg6 : memref<640xf32, #tpu.memory_space<vmem>>) target(%dma_start3A_246 : memref<640xf32, #tpu.memory_space<vmem_shared>>) target_semaphore(%run_scoped3A : memref<!tpu.dma_semaphore, #tpu.memory_space<semaphore_mem>>)
      %dma_wait3A = tpu.memref_slice %arg7[%mul3A_207] : memref<10240xf32, #tpu.memory_space<vmem_shared>> -> memref<640xf32, #tpu.memory_space<vmem_shared>>
      %dma_wait3A_247 = tpu.memref_slice %arg7[%mul3A_207] : memref<10240xf32, #tpu.memory_space<vmem_shared>> -> memref<640xf32, #tpu.memory_space<vmem_shared>>
      tpu.wait_dma2 semaphore(%run_scoped3A : memref<!tpu.dma_semaphore, #tpu.memory_space<semaphore_mem>>) src(%arg6 : memref<640xf32, #tpu.memory_space<vmem>>) dst(%dma_wait3A_247 : memref<640xf32, #tpu.memory_space<vmem_shared>>)
      tpu.yield
    }) : () -> ()
    %scan3A_208 = arith.constant 0 : i32
    %scan3A_209 = arith.constant 0 : i32
    %scan3A_210 = arith.constant 78 : i32
    %scan3A_211 = arith.addi %scan3A_209, %scan3A_210 : i32
    %scan3A_212 = arith.constant 1 : i32
    scf.for %scan3A_246 = %scan3A_209 to %scan3A_211 step %scan3A_212  : i32 {
      %dma_wait3A = arith.constant 0 : i32
      %dma_wait3A_247 = arith.constant 0 : i32
      %dma_wait3A_248 = arith.constant 0 : i32
      %dma_wait3A_249 = tpu.memref_slice %arg4[%dma_wait3A, %dma_wait3A_247, %dma_wait3A_248] : memref<79x2x128xi32, #tpu.memory_space<vmem>> -> memref<1x2x128xi32, #tpu.memory_space<vmem>>
      %dma_wait3A_250 = tpu.memref_squeeze %dma_wait3A_249 : memref<1x2x128xi32, #tpu.memory_space<vmem>> -> memref<2x128xi32, #tpu.memory_space<vmem>>
      %dma_wait3A_251 = arith.constant 0 : i32
      %dma_wait3A_252 = tpu.memref_slice %arg2[%dma_wait3A_251, %mul3A_4] : memref<2x320000xi32, #tpu.memory_space<hbm>> -> memref<2x128xi32, #tpu.memory_space<hbm>>
      %dma_wait3A_253 = arith.constant 0 : i32
      %dma_wait3A_254 = arith.constant 0 : i32
      %dma_wait3A_255 = tpu.memref_slice %arg4[%dma_wait3A, %dma_wait3A_253, %dma_wait3A_254] : memref<79x2x128xi32, #tpu.memory_space<vmem>> -> memref<1x2x128xi32, #tpu.memory_space<vmem>>
      %dma_wait3A_256 = tpu.memref_squeeze %dma_wait3A_255 : memref<1x2x128xi32, #tpu.memory_space<vmem>> -> memref<2x128xi32, #tpu.memory_space<vmem>>
      %dma_wait3A_257 = arith.constant 0 : i32
      %dma_wait3A_258 = tpu.memref_slice %arg2[%dma_wait3A_257, %mul3A_4] : memref<2x320000xi32, #tpu.memory_space<hbm>> -> memref<2x128xi32, #tpu.memory_space<hbm>>
      tpu.wait_dma2 semaphore(%arg8 : memref<!tpu.dma_semaphore, #tpu.memory_space<semaphore_mem>>) src(%dma_wait3A_258 : memref<2x128xi32, #tpu.memory_space<hbm>>) dst(%dma_wait3A_256 : memref<2x128xi32, #tpu.memory_space<vmem>>)
    }
    %scan3A_213 = arith.constant 78 : i32
    %lt3A_214 = arith.constant 4 : i32
    %lt3A_215 = arith.cmpi slt, %add3A, %lt3A_214 : i32
    %convert_element_type3A_216 = arith.extui %lt3A_215 : i1 to i32
    %cond3A_217 = arith.constant 0 : i32
    %cond3A_218 = arith.cmpi ne, %convert_element_type3A_216, %cond3A_217 : i32
    scf.if %cond3A_218 {
      %dma_wait3A = arith.constant 0 : i32
      %dma_wait3A_246 = arith.constant 0 : i32
      %dma_wait3A_247 = arith.constant 0 : i32
      %dma_wait3A_248 = tpu.memref_slice %arg4[%dma_wait3A, %dma_wait3A_246, %dma_wait3A_247] : memref<79x2x128xi32, #tpu.memory_space<vmem>> -> memref<1x2x128xi32, #tpu.memory_space<vmem>>
      %dma_wait3A_249 = tpu.memref_squeeze %dma_wait3A_248 : memref<1x2x128xi32, #tpu.memory_space<vmem>> -> memref<2x128xi32, #tpu.memory_space<vmem>>
      %dma_wait3A_250 = arith.constant 0 : i32
      %dma_wait3A_251 = tpu.memref_slice %arg2[%dma_wait3A_250, %mul3A_4] : memref<2x320000xi32, #tpu.memory_space<hbm>> -> memref<2x128xi32, #tpu.memory_space<hbm>>
      %dma_wait3A_252 = arith.constant 0 : i32
      %dma_wait3A_253 = arith.constant 0 : i32
      %dma_wait3A_254 = tpu.memref_slice %arg4[%dma_wait3A, %dma_wait3A_252, %dma_wait3A_253] : memref<79x2x128xi32, #tpu.memory_space<vmem>> -> memref<1x2x128xi32, #tpu.memory_space<vmem>>
      %dma_wait3A_255 = tpu.memref_squeeze %dma_wait3A_254 : memref<1x2x128xi32, #tpu.memory_space<vmem>> -> memref<2x128xi32, #tpu.memory_space<vmem>>
      %dma_wait3A_256 = arith.constant 0 : i32
      %dma_wait3A_257 = tpu.memref_slice %arg2[%dma_wait3A_256, %mul3A_4] : memref<2x320000xi32, #tpu.memory_space<hbm>> -> memref<2x128xi32, #tpu.memory_space<hbm>>
      tpu.wait_dma2 semaphore(%arg8 : memref<!tpu.dma_semaphore, #tpu.memory_space<semaphore_mem>>) src(%dma_wait3A_257 : memref<2x128xi32, #tpu.memory_space<hbm>>) dst(%dma_wait3A_255 : memref<2x128xi32, #tpu.memory_space<vmem>>)
    } else {
    }
    %barrier3A = arith.constant 0 : index
    tpu.barrier barrier_id(%barrier3A)
    %scan3A_219 = arith.constant 0 : i32
    %scan3A_220 = arith.constant 0 : i32
    %scan3A_221 = arith.constant 78 : i32
    %scan3A_222 = arith.addi %scan3A_220, %scan3A_221 : i32
    %scan3A_223 = arith.constant 1 : i32
    scf.for %scan3A_246 = %scan3A_220 to %scan3A_222 step %scan3A_223  : i32 {
      %dma_start3A = arith.constant 1 : i32
      %dma_start3A_247 = arith.constant 0 : i32
      %dma_start3A_248 = tpu.memref_slice %arg4[%scan3A_246, %dma_start3A, %dma_start3A_247] : memref<79x2x128xi32, #tpu.memory_space<vmem>> -> memref<1x1x128xi32, #tpu.memory_space<vmem>>
      %dma_start3A_249 = tpu.memref_squeeze %dma_start3A_248 : memref<1x1x128xi32, #tpu.memory_space<vmem>> -> memref<128xi32, #tpu.memory_space<vmem>>
      %dma_start3A_250 = arith.constant 0 : i32
      %dma_start3A_251 = tpu.memref_slice %arg7[%dma_start3A_250] : memref<10240xf32, #tpu.memory_space<vmem_shared>> -> memref<10240xf32, #tpu.memory_space<vmem_shared>>
      tpu.enqueue_indirect_dma source(%arg5 : memref<128xf32, #tpu.memory_space<vmem>>) target(%dma_start3A_251 : memref<10240xf32, #tpu.memory_space<vmem_shared>>) offsets(%dma_start3A_249 : memref<128xi32, #tpu.memory_space<vmem>>) semaphore(%arg9 : memref<!tpu.dma_semaphore, #tpu.memory_space<semaphore_mem>>) {add = true}
    }
    %scan3A_224 = arith.constant 78 : i32
    %lt3A_225 = arith.constant 4 : i32
    %lt3A_226 = arith.cmpi slt, %add3A, %lt3A_225 : i32
    %convert_element_type3A_227 = arith.extui %lt3A_226 : i1 to i32
    %cond3A_228 = arith.constant 0 : i32
    %cond3A_229 = arith.cmpi ne, %convert_element_type3A_227, %cond3A_228 : i32
    scf.if %cond3A_229 {
      %dma_start3A = arith.constant 78 : i32
      %dma_start3A_246 = arith.constant 1 : i32
      %dma_start3A_247 = arith.constant 0 : i32
      %dma_start3A_248 = tpu.memref_slice %arg4[%dma_start3A, %dma_start3A_246, %dma_start3A_247] : memref<79x2x128xi32, #tpu.memory_space<vmem>> -> memref<1x1x128xi32, #tpu.memory_space<vmem>>
      %dma_start3A_249 = tpu.memref_squeeze %dma_start3A_248 : memref<1x1x128xi32, #tpu.memory_space<vmem>> -> memref<128xi32, #tpu.memory_space<vmem>>
      %dma_start3A_250 = arith.constant 0 : i32
      %dma_start3A_251 = tpu.memref_slice %arg7[%dma_start3A_250] : memref<10240xf32, #tpu.memory_space<vmem_shared>> -> memref<10240xf32, #tpu.memory_space<vmem_shared>>
      tpu.enqueue_indirect_dma source(%arg5 : memref<128xf32, #tpu.memory_space<vmem>>) target(%dma_start3A_251 : memref<10240xf32, #tpu.memory_space<vmem_shared>>) offsets(%dma_start3A_249 : memref<128xi32, #tpu.memory_space<vmem>>) semaphore(%arg9 : memref<!tpu.dma_semaphore, #tpu.memory_space<semaphore_mem>>) {add = true}
    } else {
    }
    %scan3A_230 = arith.constant 0 : i32
    %scan3A_231 = arith.constant 0 : i32
    %scan3A_232 = arith.constant 78 : i32
    %scan3A_233 = arith.addi %scan3A_231, %scan3A_232 : i32
    %scan3A_234 = arith.constant 1 : i32
    scf.for %scan3A_246 = %scan3A_231 to %scan3A_233 step %scan3A_234  : i32 {
      %dma_wait3A = arith.constant 0 : i32
      %dma_wait3A_247 = arith.constant 1 : i32
      %dma_wait3A_248 = arith.constant 0 : i32
      %dma_wait3A_249 = tpu.memref_slice %arg4[%dma_wait3A, %dma_wait3A_247, %dma_wait3A_248] : memref<79x2x128xi32, #tpu.memory_space<vmem>> -> memref<1x1x128xi32, #tpu.memory_space<vmem>>
      %dma_wait3A_250 = tpu.memref_squeeze %dma_wait3A_249 : memref<1x1x128xi32, #tpu.memory_space<vmem>> -> memref<128xi32, #tpu.memory_space<vmem>>
      %dma_wait3A_251 = arith.constant 0 : i32
      %dma_wait3A_252 = tpu.memref_slice %arg7[%dma_wait3A_251] : memref<10240xf32, #tpu.memory_space<vmem_shared>> -> memref<10240xf32, #tpu.memory_space<vmem_shared>>
      tpu.wait_indirect_dma semaphore(%arg9 : memref<!tpu.dma_semaphore, #tpu.memory_space<semaphore_mem>>) src(%arg5 : memref<128xf32, #tpu.memory_space<vmem>>) dst(%dma_wait3A_252 : memref<10240xf32, #tpu.memory_space<vmem_shared>>)
    }
    %scan3A_235 = arith.constant 78 : i32
    %lt3A_236 = arith.constant 4 : i32
    %lt3A_237 = arith.cmpi slt, %add3A, %lt3A_236 : i32
    %convert_element_type3A_238 = arith.extui %lt3A_237 : i1 to i32
    %cond3A_239 = arith.constant 0 : i32
    %cond3A_240 = arith.cmpi ne, %convert_element_type3A_238, %cond3A_239 : i32
    scf.if %cond3A_240 {
      %dma_wait3A = arith.constant 0 : i32
      %dma_wait3A_246 = arith.constant 1 : i32
      %dma_wait3A_247 = arith.constant 0 : i32
      %dma_wait3A_248 = tpu.memref_slice %arg4[%dma_wait3A, %dma_wait3A_246, %dma_wait3A_247] : memref<79x2x128xi32, #tpu.memory_space<vmem>> -> memref<1x1x128xi32, #tpu.memory_space<vmem>>
      %dma_wait3A_249 = tpu.memref_squeeze %dma_wait3A_248 : memref<1x1x128xi32, #tpu.memory_space<vmem>> -> memref<128xi32, #tpu.memory_space<vmem>>
      %dma_wait3A_250 = arith.constant 0 : i32
      %dma_wait3A_251 = tpu.memref_slice %arg7[%dma_wait3A_250] : memref<10240xf32, #tpu.memory_space<vmem_shared>> -> memref<10240xf32, #tpu.memory_space<vmem_shared>>
      tpu.wait_indirect_dma semaphore(%arg9 : memref<!tpu.dma_semaphore, #tpu.memory_space<semaphore_mem>>) src(%arg5 : memref<128xf32, #tpu.memory_space<vmem>>) dst(%dma_wait3A_251 : memref<10240xf32, #tpu.memory_space<vmem_shared>>)
    } else {
    }
    %barrier3A_241 = arith.constant 0 : index
    tpu.barrier barrier_id(%barrier3A_241)
    %eq3A = arith.constant 0 : i32
    %eq3A_242 = arith.cmpi eq, %arg1, %eq3A : i32
    %convert_element_type3A_243 = arith.extui %eq3A_242 : i1 to i32
    %cond3A_244 = arith.constant 0 : i32
    %cond3A_245 = arith.cmpi ne, %convert_element_type3A_243, %cond3A_244 : i32
    scf.if %cond3A_245 {
      "tpu.region"() ({
        %run_scoped3A = tpu.sem_alloc : memref<!tpu.dma_semaphore, #tpu.memory_space<semaphore_mem>>
        %dma_start3A = arith.constant 0 : i32
        %dma_start3A_246 = tpu.memref_slice %arg3[%arg0, %dma_start3A] : memref<2x10240xf32, #tpu.memory_space<hbm>> -> memref<1x10240xf32, #tpu.memory_space<hbm>>
        %dma_start3A_247 = tpu.memref_squeeze %dma_start3A_246 : memref<1x10240xf32, #tpu.memory_space<hbm>> -> memref<10240xf32, #tpu.memory_space<hbm>>
        tpu.enqueue_dma source(%arg7 : memref<10240xf32, #tpu.memory_space<vmem_shared>>) target(%dma_start3A_247 : memref<10240xf32, #tpu.memory_space<hbm>>) target_semaphore(%run_scoped3A : memref<!tpu.dma_semaphore, #tpu.memory_space<semaphore_mem>>)
        %dma_wait3A = arith.constant 0 : i32
        %dma_wait3A_248 = tpu.memref_slice %arg3[%arg0, %dma_wait3A] : memref<2x10240xf32, #tpu.memory_space<hbm>> -> memref<1x10240xf32, #tpu.memory_space<hbm>>
        %dma_wait3A_249 = tpu.memref_squeeze %dma_wait3A_248 : memref<1x10240xf32, #tpu.memory_space<hbm>> -> memref<10240xf32, #tpu.memory_space<hbm>>
        tpu.wait_dma2 semaphore(%run_scoped3A : memref<!tpu.dma_semaphore, #tpu.memory_space<semaphore_mem>>) src(%arg7 : memref<10240xf32, #tpu.memory_space<vmem_shared>>) dst(%dma_wait3A_249 : memref<10240xf32, #tpu.memory_space<hbm>>)
        tpu.yield
      }) : () -> ()
    } else {
    }
    return
  }
}

module attributes {stable_mosaic.version = 14 : i64} {
  func.func @_fin_body(%arg0: i32, %arg1: memref<1000x128xf32, #tpu.memory_space<vmem>>, %arg2: memref<2x1000x128xf32, #tpu.memory_space<vmem>>, %arg3: memref<1000x128xf32, #tpu.memory_space<vmem>>, %arg4: memref<1000x1xf32, #tpu.memory_space<vmem>>, %arg5: memref<1000x1xf32, #tpu.memory_space<vmem>>, %arg6: memref<1x128xf32, #tpu.memory_space<vmem>>, %arg7: memref<1x1xf32, #tpu.memory_space<vmem>>, %arg8: memref<1000x128xf32, #tpu.memory_space<vmem>>) attributes {dimension_semantics = [#tpu.dimension_semantics<arbitrary>], iteration_bounds = array<i64: 10>, scalar_prefetch = 0 : i64, scratch_operands = 0 : i64, tpu.core_type = #tpu.core_type<tc>, window_params = [{transform_indices = @transform_0, window_bounds = array<i64: 1000, 128>}, {transform_indices = @transform_1, window_bounds = array<i64: 2, 1000, 128>}, {transform_indices = @transform_2, window_bounds = array<i64: 1000, 128>}, {transform_indices = @transform_3, window_bounds = array<i64: 1000, 1>}, {transform_indices = @transform_4, window_bounds = array<i64: 1000, 1>}, {pipeline_mode = #tpu.pipeline_mode<synchronous>, transform_indices = @transform_5, window_bounds = array<i64: 1, 128>}, {pipeline_mode = #tpu.pipeline_mode<synchronous>, transform_indices = @transform_6, window_bounds = array<i64: 1, 1>}, {transform_indices = @transform_7, window_bounds = array<i64: 1000, 128>}]} {
    %get3A = arith.constant 0 : index
    %get3A_0 = arith.constant 0 : index
    %get3A_1 = vector.load %arg4[%get3A, %get3A_0] : memref<1000x1xf32, #tpu.memory_space<vmem>>, vector<1000x1xf32>
    %get3A_2 = arith.constant 0 : index
    %get3A_3 = arith.constant 0 : index
    %get3A_4 = vector.load %arg5[%get3A_2, %get3A_3] : memref<1000x1xf32, #tpu.memory_space<vmem>>, vector<1000x1xf32>
    %add3A = arith.addf %get3A_1, %get3A_4 : vector<1000x1xf32>
    %add3A_5 = arith.constant 1.000000e+00 : f32
    %add3A_6 = vector.broadcast %add3A_5 : f32 to vector<1000x1xf32>
    %add3A_7 = arith.addf %add3A, %add3A_6 : vector<1000x1xf32>
    %rsqrt3A = math.rsqrt %add3A_7 : vector<1000x1xf32>
    %get3A_8 = arith.constant 0 : index
    %get3A_9 = arith.constant 0 : index
    %get3A_10 = vector.load %arg7[%get3A_8, %get3A_9] : memref<1x1xf32, #tpu.memory_space<vmem>>, vector<1x1xf32>
    %get3A_11 = vector.extract %get3A_10[0, 0] : f32 from vector<1x1xf32>
    %get3A_12 = arith.constant 0 : index
    %get3A_13 = arith.constant 0 : index
    %get3A_14 = arith.constant 0 : index
    %get3A_15 = vector.load %arg2[%get3A_12, %get3A_13, %get3A_14] : memref<2x1000x128xf32, #tpu.memory_space<vmem>>, vector<1x1000x128xf32>
    %get3A_16 = vector.shape_cast %get3A_15 : vector<1x1000x128xf32> to vector<1000x128xf32>
    %get3A_17 = arith.constant 1 : index
    %get3A_18 = arith.constant 0 : index
    %get3A_19 = arith.constant 0 : index
    %get3A_20 = vector.load %arg2[%get3A_17, %get3A_18, %get3A_19] : memref<2x1000x128xf32, #tpu.memory_space<vmem>>, vector<1x1000x128xf32>
    %get3A_21 = vector.shape_cast %get3A_20 : vector<1x1000x128xf32> to vector<1000x128xf32>
    %add3A_22 = arith.addf %get3A_16, %get3A_21 : vector<1000x128xf32>
    %get3A_23 = arith.constant 0 : index
    %get3A_24 = arith.constant 0 : index
    %get3A_25 = vector.load %arg3[%get3A_23, %get3A_24] : memref<1000x128xf32, #tpu.memory_space<vmem>>, vector<1000x128xf32>
    %add3A_26 = arith.addf %add3A_22, %get3A_25 : vector<1000x128xf32>
    %mul3A = vector.broadcast %rsqrt3A : vector<1000x1xf32> to vector<1000x128xf32>
    %mul3A_27 = arith.mulf %mul3A, %add3A_26 : vector<1000x128xf32>
    %get3A_28 = arith.constant 0 : index
    %get3A_29 = arith.constant 0 : index
    %get3A_30 = vector.load %arg6[%get3A_28, %get3A_29] : memref<1x128xf32, #tpu.memory_space<vmem>>, vector<1x128xf32>
    %add3A_31 = vector.broadcast %get3A_30 : vector<1x128xf32> to vector<1000x128xf32>
    %add3A_32 = arith.addf %mul3A_27, %add3A_31 : vector<1000x128xf32>
    %get3A_33 = arith.constant 0 : index
    %get3A_34 = arith.constant 0 : index
    %get3A_35 = vector.load %arg1[%get3A_33, %get3A_34] : memref<1000x128xf32, #tpu.memory_space<vmem>>, vector<1000x128xf32>
    %mul3A_36 = vector.broadcast %get3A_11 : f32 to vector<1000x128xf32>
    %mul3A_37 = arith.mulf %mul3A_36, %get3A_35 : vector<1000x128xf32>
    %sub3A = arith.constant 1.000000e+00 : f32
    %sub3A_38 = arith.subf %sub3A, %get3A_11 : f32
    %mul3A_39 = vector.broadcast %sub3A_38 : f32 to vector<1000x128xf32>
    %mul3A_40 = arith.mulf %mul3A_39, %add3A_32 : vector<1000x128xf32>
    %add3A_41 = arith.addf %mul3A_37, %mul3A_40 : vector<1000x128xf32>
    %swap3A = arith.constant 0 : index
    %swap3A_42 = arith.constant 0 : index
    %swap3A_43 = vector.load %arg8[%swap3A, %swap3A_42] : memref<1000x128xf32, #tpu.memory_space<vmem>>, vector<1000x128xf32>
    tpu.vector_store %arg8[%swap3A, %swap3A_42], %add3A_41 {strides = array<i32>} : memref<1000x128xf32, #tpu.memory_space<vmem>>, vector<1000x128xf32>,
    return
  }
  func.func @transform_0(%arg0: i32) -> (i32, i32) {
    %c0_i32 = arith.constant 0 : i32
    %c0_i32_0 = arith.constant 0 : i32
    return %arg0, %c0_i32 : i32, i32
  }
  func.func @transform_1(%arg0: i32) -> (i32, i32, i32) {
    %c0_i32 = arith.constant 0 : i32
    %c0_i32_0 = arith.constant 0 : i32
    %c0_i32_1 = arith.constant 0 : i32
    return %c0_i32, %arg0, %c0_i32_0 : i32, i32, i32
  }
  func.func @transform_2(%arg0: i32) -> (i32, i32) {
    %c0_i32 = arith.constant 0 : i32
    %c0_i32_0 = arith.constant 0 : i32
    return %arg0, %c0_i32 : i32, i32
  }
  func.func @transform_3(%arg0: i32) -> (i32, i32) {
    %c0_i32 = arith.constant 0 : i32
    %c0_i32_0 = arith.constant 0 : i32
    return %arg0, %c0_i32 : i32, i32
  }
  func.func @transform_4(%arg0: i32) -> (i32, i32) {
    %c0_i32 = arith.constant 0 : i32
    %c0_i32_0 = arith.constant 0 : i32
    return %arg0, %c0_i32 : i32, i32
  }
  func.func @transform_5(%arg0: i32) -> (i32, i32) {
    %c0_i32 = arith.constant 0 : i32
    %c0_i32_0 = arith.constant 0 : i32
    %c0_i32_1 = arith.constant 0 : i32
    return %c0_i32, %c0_i32_0 : i32, i32
  }
  func.func @transform_6(%arg0: i32) -> (i32, i32) {
    %c0_i32 = arith.constant 0 : i32
    %c0_i32_0 = arith.constant 0 : i32
    %c0_i32_1 = arith.constant 0 : i32
    return %c0_i32, %c0_i32_0 : i32, i32
  }
  func.func @transform_7(%arg0: i32) -> (i32, i32) {
    %c0_i32 = arith.constant 0 : i32
    %c0_i32_0 = arith.constant 0 : i32
    return %arg0, %c0_i32 : i32, i32
  }
}

module attributes {stable_mosaic.version = 14 : i64} {
  func.func @_g_body(%arg0: i32, %arg1: memref<1000x128xf32, #tpu.memory_space<vmem>>, %arg2: memref<128x128xf32, #tpu.memory_space<vmem>>, %arg3: memref<1000x1xf32, #tpu.memory_space<vmem>>, %arg4: memref<1000x1xf32, #tpu.memory_space<vmem>>, %arg5: memref<1000x128xf32, #tpu.memory_space<vmem>>) attributes {dimension_semantics = [#tpu.dimension_semantics<arbitrary>], iteration_bounds = array<i64: 10>, scalar_prefetch = 0 : i64, scratch_operands = 0 : i64, tpu.core_type = #tpu.core_type<tc>, window_params = [{transform_indices = @transform_0, window_bounds = array<i64: 1000, 128>}, {pipeline_mode = #tpu.pipeline_mode<synchronous>, transform_indices = @transform_1, window_bounds = array<i64: 128, 128>}, {transform_indices = @transform_2, window_bounds = array<i64: 1000, 1>}, {transform_indices = @transform_3, window_bounds = array<i64: 1000, 1>}, {transform_indices = @transform_4, window_bounds = array<i64: 1000, 128>}]} {
    %get3A = arith.constant 0 : index
    %get3A_0 = arith.constant 0 : index
    %get3A_1 = vector.load %arg3[%get3A, %get3A_0] : memref<1000x1xf32, #tpu.memory_space<vmem>>, vector<1000x1xf32>
    %get3A_2 = arith.constant 0 : index
    %get3A_3 = arith.constant 0 : index
    %get3A_4 = vector.load %arg4[%get3A_2, %get3A_3] : memref<1000x1xf32, #tpu.memory_space<vmem>>, vector<1000x1xf32>
    %add3A = arith.addf %get3A_1, %get3A_4 : vector<1000x1xf32>
    %add3A_5 = arith.constant 1.000000e+00 : f32
    %add3A_6 = vector.broadcast %add3A_5 : f32 to vector<1000x1xf32>
    %add3A_7 = arith.addf %add3A, %add3A_6 : vector<1000x1xf32>
    %rsqrt3A = math.rsqrt %add3A_7 : vector<1000x1xf32>
    %get3A_8 = arith.constant 0 : index
    %get3A_9 = arith.constant 0 : index
    %get3A_10 = vector.load %arg1[%get3A_8, %get3A_9] : memref<1000x128xf32, #tpu.memory_space<vmem>>, vector<1000x128xf32>
    %get3A_11 = arith.constant 0 : index
    %get3A_12 = arith.constant 0 : index
    %get3A_13 = vector.load %arg2[%get3A_11, %get3A_12] : memref<128x128xf32, #tpu.memory_space<vmem>>, vector<128x128xf32>
    %dot_general3A = arith.constant dense<0.000000e+00> : vector<1000x128xf32>
    %dot_general3A_14 = tpu.matmul %get3A_10, %get3A_13, %dot_general3A {dimension_numbers = #tpu.dot_dimension_numbers<[1], [1], [0], [0], [0, 0, 1, 0], [], []>, transpose_lhs_hint = false} : vector<1000x128xf32>, vector<128x128xf32>, vector<1000x128xf32> -> vector<1000x128xf32>
    %mul3A = vector.broadcast %rsqrt3A : vector<1000x1xf32> to vector<1000x128xf32>
    %mul3A_15 = arith.mulf %dot_general3A_14, %mul3A : vector<1000x128xf32>
    %swap3A = arith.constant 0 : index
    %swap3A_16 = arith.constant 0 : index
    %swap3A_17 = vector.load %arg5[%swap3A, %swap3A_16] : memref<1000x128xf32, #tpu.memory_space<vmem>>, vector<1000x128xf32>
    tpu.vector_store %arg5[%swap3A, %swap3A_16], %mul3A_15 {strides = array<i32>} : memref<1000x128xf32, #tpu.memory_space<vmem>>, vector<1000x128xf32>,
    return
  }
  func.func @transform_0(%arg0: i32) -> (i32, i32) {
    %c0_i32 = arith.constant 0 : i32
    %c0_i32_0 = arith.constant 0 : i32
    return %arg0, %c0_i32 : i32, i32
  }
  func.func @transform_1(%arg0: i32) -> (i32, i32) {
    %c0_i32 = arith.constant 0 : i32
    %c0_i32_0 = arith.constant 0 : i32
    %c0_i32_1 = arith.constant 0 : i32
    return %c0_i32, %c0_i32_0 : i32, i32
  }
  func.func @transform_2(%arg0: i32) -> (i32, i32) {
    %c0_i32 = arith.constant 0 : i32
    %c0_i32_0 = arith.constant 0 : i32
    return %arg0, %c0_i32 : i32, i32
  }
  func.func @transform_3(%arg0: i32) -> (i32, i32) {
    %c0_i32 = arith.constant 0 : i32
    %c0_i32_0 = arith.constant 0 : i32
    return %arg0, %c0_i32 : i32, i32
  }
  func.func @transform_4(%arg0: i32) -> (i32, i32) {
    %c0_i32 = arith.constant 0 : i32
    %c0_i32_0 = arith.constant 0 : i32
    return %arg0, %c0_i32 : i32, i32
  }
}

</mosaic_0001>

<sc_bundles>
// kernel: kernel.6.cloned.1.call-start
scs
__scs_entry_jumppad:
0x0: {  	(pc) =	sbr.rel $0x88, $3  }
0x1: {  	(tag) =	ssettag $0x0;
	lr =	simm.s32 $0x1  }
0x2: {  	[smem:$0x3F9C] =	sst lr;
	_ =	strace $0xD0000000  }
0x3: {  	_ = 	snop  }
0x4: {  	_ = 	snop  }
0x5: {  	_ = 	snop  }
0x6: {  	_ = 	snop  }
0x7: {  	_ = 	snop  }
__scs_overlays_trampoline_lowered:
0x8: {  	[smem:$0x3FAB] =	sst s0  }
0x9: {  	[smem:$0x3FAC] =	sst s1  }
0xa: {  	[smem:$0x3FAD] =	sst s2  }
0xb: {  	[smem:$0x3FAE] =	sst s3  }
0xc: {  	[smem:$0x3FAF] =	sst s4  }
0xd: {  	[smem:$0x3FB0] =	sst s5  }
0xe: {  	[smem:$0x3FB1] =	sst s6  }
0xf: {  	[smem:$0x3FB2] =	sst s7  }
0x10: {  	[smem:$0x3FB3] =	sst s8  }
0x11: {  	[smem:$0x3FB4] =	sst s9;
	s0 =	simm.s32 @!p0 $0x0  }
0x12: {  	s1 =	sld [smem:$0x3F9A];
	s0 =	simm.s32 @p0 $0x1  }
0x13: {  	[smem:$0x3FB5] =	sst s0;
	s0 =	simm.s32 @!p1 $0x0  }
0x14: {  	s2 =	sld [smem:$0x3F99];
	s0 =	simm.s32 @p1 $0x1  }
0x15: {  	[smem:$0x3FB6] =	sst s0;
	s0 =	simm.s32 @!p2 $0x0  }
0x16: {  	s3 =	sld [smem:$0x3FDB];
	s0 =	simm.s32 @p2 $0x1  }
0x17: {  	s4 =	simm.s32 $0x1BF5;
	[smem:$0x3FB8] =	sst s0  }
0x18: {  	s0 =	sld [smem:$0x3F9B];
	_ =	swait.ge [sflag:s4], $0x0  }
0x19: {  	s7 =	sld [smem:$0x3F9C]  }
0x1a: {  	s8 =	sadd.s32 $0xFFFFE003, lr  }
0x1b: {  	s9 =	sadd.s32 $0xFFFFFEF7, lr;
	s5 =	simm.s32 $0xFFFFFFFF;
	p2 =	slt.u32 s8, $0xFFFFF086  }
0x1c: {  	p1 =	slt.u32 s9, $0xF7A;
	s5 =	simm.s32 @!p2 $0x0  }
0x1d: {  	s5 =	simm.s32 @p1 $0x1;
	p0 =	seq.s32 s7, s2  }
0x1e: {  	s7 =	smul.u32 @!p0 $0xF7A, s2;
	p2 =	seq.s32 @!p0 s5, $0x0  }
0x1f: {  	s9 =	smul.u32 $0xF7A, s1;
	s8 =	simm.s32 @!p0 $0x1BF5;
	p2 =	por !p2, p0  }
0x20: {  	[sflag:s8] =	ssyncset.s32 @!p0 $0xFFFFF086;
	s6 =	sadd.s32 @!p0 s3, s7;
	s7 =	simm.s32 @!p0 $0x108  }
0x21: {  	s3 =	sadd.s32 s3, s9;
	s6 =	sadd.s32 @!p0 $0x88, s6;
	s7 =	simm.s32 @p2 $0x1082  }
0x22: {  	[simem:s7], [sflag:s8] =	dma.local @!p0 [hbm:s6], $0xF7A  }
0x23: {  	s9 =	sor.u32 $0xD0000000, s2;
	s6 =	simm.s32 $0x108;
	_ =	swait.ge @!p0 [sflag:s8], $0x0  }
0x24: {  	s3 =	sadd.s32 $0x88, s3;
	s6 =	simm.s32 @!p1 $0x1082;
	[sflag:s4] =	ssyncset.s32 $0xFFFFF086  }
0x25: {  	[simem:s6], [sflag:s4] =	dma.local [hbm:s3], $0xF7A  }
0x26: {  	[smem:$0x3F9C] =	sst s1;
	(tag) =	ssettag s2;
	_ =	strace s9  }
0x27: {  	s1 =	sld [smem:$0x3FAC]  }
0x28: {  	s2 =	sld [smem:$0x3FAD]  }
0x29: {  	s4 =	sld [smem:$0x3FAF]  }
0x2a: {  	p0 =	seq.s32 s5, $0x0;
	s5 =	sld [smem:$0x3FB0]  }
0x2b: {  	s6 =	sld [smem:$0x3FB1]  }
0x2c: {  	s7 =	sld [smem:$0x3FB2]  }
0x2d: {  	s3 =	simm.s32 $0x108;
	s8 =	sld [smem:$0x3FB3]  }
0x2e: {  	s3 =	simm.s32 @!p0 $0x1082;
	s9 =	sld [smem:$0x3FB4]  }
0x2f: {  	lr =	sadd.s32 s0, s3;
	s0 =	sld [smem:$0x3FAB]  }
0x30: {  	s3 =	sld [smem:$0x3FAE]  }
0x31: {  	[smem:$0x3FB7] =	sst s10  }
0x32: {  	s10 =	sld [smem:$0x3FB5];
	_ =	sdelay $0x3  }
0x33: {  	p0 =	seq.s32 s10, $0x1;
	s10 =	sld [smem:$0x3FB7];
	_ =	sdelay $0x3  }
0x34: {  	[smem:$0x3FB7] =	sst s10  }
0x35: {  	s10 =	sld [smem:$0x3FB6];
	_ =	sdelay $0x3  }
0x36: {  	p1 =	seq.s32 s10, $0x1;
	s10 =	sld [smem:$0x3FB7];
	_ =	sdelay $0x3  }
0x37: {  	[smem:$0x3FB7] =	sst s10  }
0x38: {  	s10 =	sld [smem:$0x3FB8]  }
0x39: {  	_ = 	snop;
	(pc) =	sbr.ind lr, $3  }
0x3a: {  	_ = 	snop  }
0x3b: {  	_ = 	snop  }
0x3c: {  	p2 =	seq.s32 s10, $0x1;
	s10 =	sld [smem:$0x3FB7]  }
0x3d: {  	_ =	shalt  }
0x3e: {  	_ =	shalt  }
0x3f: {  	_ =	shalt  }
0x40: {  	_ =	shalt  }
0x41: {  	_ =	shalt  }
0x42: {  	_ =	shalt  }
0x43: {  	_ =	shalt  }
0x44: {  	_ =	shalt  }
0x45: {  	_ =	shalt  }
0x46: {  	_ =	shalt  }
0x47: {  	_ =	shalt  }
0x48: {  	_ =	shalt  }
0x49: {  	_ =	shalt  }
0x4a: {  	_ =	shalt  }
0x4b: {  	_ =	shalt  }
0x4c: {  	_ =	shalt  }
0x4d: {  	_ =	shalt  }
0x4e: {  	_ =	shalt  }
0x4f: {  	_ =	shalt  }
0x50: {  	_ =	shalt  }
0x51: {  	_ =	shalt  }
0x52: {  	_ =	shalt  }
0x53: {  	_ =	shalt  }
0x54: {  	_ =	shalt  }
0x55: {  	_ =	shalt  }
0x56: {  	_ =	shalt  }
0x57: {  	_ =	shalt  }
0x58: {  	_ =	shalt  }
0x59: {  	_ =	shalt  }
0x5a: {  	_ =	shalt  }
0x5b: {  	_ =	shalt  }
0x5c: {  	_ =	shalt  }
0x5d: {  	_ =	shalt  }
0x5e: {  	_ =	shalt  }
0x5f: {  	_ =	shalt  }
0x60: {  	_ =	shalt  }
0x61: {  	_ =	shalt  }
0x62: {  	_ =	shalt  }
0x63: {  	_ =	shalt  }
0x64: {  	_ =	shalt  }
0x65: {  	_ =	shalt  }
0x66: {  	_ =	shalt  }
0x67: {  	_ =	shalt  }
0x68: {  	_ =	shalt  }
0x69: {  	_ =	shalt  }
0x6a: {  	_ =	shalt  }
0x6b: {  	_ =	shalt  }
0x6c: {  	_ =	shalt  }
0x6d: {  	_ =	shalt  }
0x6e: {  	_ =	shalt  }
0x6f: {  	_ =	shalt  }
0x70: {  	_ =	shalt  }
0x71: {  	_ =	shalt  }
0x72: {  	_ =	shalt  }
0x73: {  	_ =	shalt  }
0x74: {  	_ =	shalt  }
0x75: {  	_ =	shalt  }
0x76: {  	_ =	shalt  }
0x77: {  	_ =	shalt  }
0x78: {  	_ =	shalt  }
0x79: {  	_ =	shalt  }
0x7a: {  	_ =	shalt  }
0x7b: {  	_ =	shalt  }
0x7c: {  	_ =	shalt  }
0x7d: {  	_ =	shalt  }
0x7e: {  	_ =	shalt  }
0x7f: {  	_ =	shalt  }
0x80: {  	_ =	shalt  }
0x81: {  	_ =	shalt  }
0x82: {  	_ =	shalt  }
0x83: {  	_ =	shalt  }
0x84: {  	_ =	shalt  }
0x85: {  	_ =	shalt  }
0x86: {  	_ =	shalt  }
0x87: {  	_ =	shalt  }
.Lfunc_end0:
.L_simem_size_0:
called_computation_lowered:
.L_overlay_start_0:
0x88: {  	s2 =	sld [smem:$0x3FD9]  }
0x89: {  	s3 =	sld [smem:$0x3FFE];
	_ =	sdelay $0x1  }
0x8a: {  	s1 =	srdreg.scid  }
0x8b: {  	s0 =	sand.u32 $0x1, s1  }
0x8c: {  	s18 =	sshll.u32 s0, $0xA;
	s2 =	sadd.s32 s3, s2  }
0x8d: {  	s2 =	sadd.s32 s2, s18  }
0x8e: {  	[smem:$0x3FC3] =	sst s2  }
0x8f: {  	_ = 	snop  }
0x90: {  	s2 =	sld [smem:$0x3FC8]  }
0x91: {  	s19 =	sld [smem:$0x3FD0];
	(tm) =	ssettm $0x1  }
0x92: {  	s4 =	sld [smem:$0x3FFB];
	_ =	sdelay $0x3  }
0x93: {  	_ =	strace s4  }
0x94: {  	s4 =	sld [smem:$0x3FFC];
	_ =	sdelay $0x3  }
0x95: {  	_ =	strace s4  }
0x96: {  	s4 =	sld [smem:$0x3FFD];
	_ =	sdelay $0x3  }
0x97: {  	_ =	strace s4  }
0x98: {  	_ =	strace $0x8FFFFFFF  }
0x99: {  	s20 =	sld [smem:$0x3FDB];
	_ =	sdelay $0x1  }
0x9a: {  	s5 =	simm.s32 $_scs_section_size  }
0x9b: {  	s6 =	simm.s32 $_size__tile_overlayer_lowered;
	s7 =	simm.s32 $_tile_overlayer_lowered  }
0x9c: {  	s23 =	simm.s32 $0x1BFF;
	s22 =	sshll.u32 s7, $0x1;
	s4 =	sadd.s32 s5, s20  }
0x9d: {  	s8 =	simm.s32 $0x0;
	s21 =	sshll.u32 s6, $0x1;
	s6 =	sadd.s32 s22, s4  }
0x9e: {  	[timem:s8], [sflag:s23] =	dma.local [hbm:s6], s21  }
0x9f: {  	_ =	swait.ge [sflag:s23], s21  }
0xa0: {  	s5 =	ssub.s32 $0x0, s21;
	[sflag:s23] =	ssyncset.done $0x0  }
0xa1: {  	[sflag:s23] =	ssyncadd.s32 s5;
	_ =	sdelay $0x1  }
0xa2: {  	s24 =	simm.s32 $0x1B8B  }
0xa3: {  	_ =	swait.ge [sflag:s24], $0x1  }
0xa4: {  	[sflag:s24] =	ssyncset.done $0x0  }
0xa5: {  	s25 =	simm.s32 $0x1B8E;
	[sflag:s24] =	ssyncadd.s32 $0xFFFFFFFF  }
0xa6: {  	s26 =	simm.s32 $execute0_lowered;
	[smem:$0x3FD2] =	sst s25  }
0xa7: {  	s5 =	sshll.u32 s26, $0x1;
	_ =	strace $0x80000046;
	[dreg:$0x1] =	wrdreg $0xFFFFFFFF  }
0xa8: {  	s28 =	simm.s32 $_size_execute0_lowered;
	s4 =	sadd.s32 s4, s5;
	[dreg:$0x0] =	wrdreg $0x0  }
0xa9: {  	s5 =	sshll.u32 s28, $0x1;
	[dreg:$0x2] =	wrdreg s4  }
0xaa: {  	[dreg:$0x3] =	wrdreg s5  }
0xab: {  	[dreg:$0x4] =	wrdreg $0xC0  }
0xac: {  	_ =	task [dreg:s8], $0x5FFFF  }
0xad: {  	[dreg:$0x1] =	wrdreg $0xFFFFFFFF  }
0xae: {  	[dreg:$0x0] =	wrdreg $0x60  }
0xaf: {  	[dreg:$0x2] =	wrdreg s2  }
0xb0: {  	[dreg:$0x3] =	wrdreg s19  }
0xb1: {  	[dreg:$0x4] =	wrdreg $0x52000  }
0xb2: {  	[dreg:$0x5] =	wrdreg $0x9  }
0xb3: {  	_ =	task.clear_ibuf [dreg:s8], $0x6FFFF;
	_ =	strace $0x90000046  }
0xb4: {  	s29 =	simm.s32 $0x9;
	_ =	strace $0x80000048  }
0xb5: {  	_ =	swait.ge [sflag:s29], $0x1  }
0xb6: {  	[sflag:s29] =	ssyncadd.s32 $0xFFFFFFFF  }
0xb7: {  	_ =	strace $0x90000048  }
0xb8: {  	_ =	sfence  }
0xb9: {  	s30 =	sld [smem:$0x0];
	_ =	sdelay $0x2  }
0xba: {  	s31 =	sshll.u32 s1, $0xD;
	s1 =	sshrl.u32 s1, $0x2  }
0xbb: {  	s3 =	sand.u32 $0x4000, s31;
	s1 =	sadd.s32 s1, s30  }
0xbc: {  	s0 =	sor.u32 s3, s0;
	s1 =	sshll.u32 s1, $0x11  }
0xbd: {  	s0 =	sor.u32 s1, s0  }
0xbe: {  	s0 =	sadd.s32 $0x8F2B, s0  }
0xbf: {  	[sflag:s0] =	ssyncadd.remote.s32 $0x1  }
0xc0: {  	_ =	sfence.sel $0xFFFF  }
0xc1: {  	[dreg:$0x0] =	wrdreg $0xFFFFFFFF;
	(pc) =	sbr.abs _section_cstart, $3  }
0xc2: {  	[dreg:$0x1] =	wrdreg $0xFFFFFFFF  }
0xc3: {  	_ =	task.clear_ibuf [dreg:s8], $0x2FFFF;
	_ =	strace $0x9FFFFFFF  }
0xc4: {  	(tm) =	ssettm $0x7FFFFFFF  }
0xc5: {  	_ =	shalt  }
tec
execute0_lowered:
.L_overlay_start_1:
0x0: {  	(tag) =	ssettag $0x1  }
0x1: {  	s6 =	rddreg [dreg:$0x0]  }
0x2: {  	s5 =	rddreg [dreg:$0x1]  }
0x3: {  	s0 =	srdreg.scid;
	s1 =	rddreg [dreg:$0x2]  }
0x4: {  	s2 =	simm.s32 $0x0;
	s13 =	stileid.u32;
	s12 =	simm.s32 $0x4F00  }
0x5: {  	s15 =	simm.s32 $0x0;
	s3 =	sand.u32 $0x1, s0;
	s0 =	rddreg [dreg:$0x3]  }
0x6: {  	[smem:$0x7FF] =	sst s2;
	s28 =	sshll.u32 s13, $0x5;
	s9 =	smul.u32 $0xA00, s13  }
0x7: {  	s30 =	smul.u32 $0x9C0, s13;
	p0 =	sne.s32 s13, $0x0;
	s4 =	ssub.s32 $0x2, s3  }
0x8: {  	_ =	strace $0x80000047;
	s8 =	sshll.u32 s3, $0x4;
	s11 =	smul.u32 $0x9C00, s3  }
0x9: {  	s14 =	sshrl.u32 @!p0 s1, $0x3;
	s7 =	sshrl.u32 s4, $0x1;
	s10 =	sor.u32 s13, s8  }
0xa: {  	s29 =	sshrl.u32 s9, $0x2;
	s5 =	sadd.s32 s5, s8;
	s8 =	simm.s32 $0x4F80  }
0xb: {  	s9 =	simm.s32 $0x3;
	s13 =	simm.s32 $0x2;
	s7 =	ssub.s32 s4, s7  }
0xc: {  	s4 =	sadd.s32 s28, s6;
	s31 =	sadd.s32 s11, s6;
	p1 =	sgt.u32 s10, $0x3  }
0xd: {  	s10 =	simm.s32 $0x1;
	s11 =	simm.s32 $0x80;
	s3 =	sadd.s32 $0x13800, s4  }
0xe: {  	v0 =	vimm.f32 $0.0e+00;
	v1 =	vimm.f32 $1.000000000e+00;
	s4 =	sadd.s32 s29, s1;
	s6 =	smax.u32 s7, $0x1;
	s7 =	sadd.s32 s30, s31  }
.LBB2_1:
0xf: {  	[tilespmem:$0x4F80] =	vst v0  }
0x10: {  	[tilespmem:$0x4F90] =	vst v0  }
0x11: {  	[tilespmem:$0x4FA0] =	vst v0  }
0x12: {  	[tilespmem:$0x4FB0] =	vst v0  }
0x13: {  	[tilespmem:$0x4FC0] =	vst v0  }
0x14: {  	[tilespmem:$0x4FD0] =	vst v0  }
0x15: {  	[tilespmem:$0x4FE0] =	vst v0  }
0x16: {  	[tilespmem:$0x4FF0] =	vst v0  }
0x17: {  	[tilespmem:$0x5000] =	vst v0  }
0x18: {  	[tilespmem:$0x5010] =	vst v0  }
0x19: {  	[tilespmem:$0x5020] =	vst v0  }
0x1a: {  	[tilespmem:$0x5030] =	vst v0  }
0x1b: {  	[tilespmem:$0x5040] =	vst v0  }
0x1c: {  	[tilespmem:$0x5050] =	vst v0  }
0x1d: {  	[tilespmem:$0x5060] =	vst v0  }
0x1e: {  	[tilespmem:$0x5070] =	vst v0  }
0x1f: {  	[tilespmem:$0x5080] =	vst v0  }
0x20: {  	[tilespmem:$0x5090] =	vst v0  }
0x21: {  	[tilespmem:$0x50A0] =	vst v0  }
0x22: {  	[tilespmem:$0x50B0] =	vst v0  }
0x23: {  	[tilespmem:$0x50C0] =	vst v0  }
0x24: {  	[tilespmem:$0x50D0] =	vst v0  }
0x25: {  	[tilespmem:$0x50E0] =	vst v0  }
0x26: {  	[tilespmem:$0x50F0] =	vst v0  }
0x27: {  	[tilespmem:$0x5100] =	vst v0  }
0x28: {  	[tilespmem:$0x5110] =	vst v0  }
0x29: {  	[tilespmem:$0x5120] =	vst v0  }
0x2a: {  	[tilespmem:$0x5130] =	vst v0  }
0x2b: {  	[tilespmem:$0x5140] =	vst v0  }
0x2c: {  	[tilespmem:$0x5150] =	vst v0  }
0x2d: {  	[tilespmem:$0x5160] =	vst v0  }
0x2e: {  	[tilespmem:$0x5170] =	vst v0  }
0x2f: {  	[tilespmem:$0x5180] =	vst v0  }
0x30: {  	[tilespmem:$0x5190] =	vst v0  }
0x31: {  	[tilespmem:$0x51A0] =	vst v0  }
0x32: {  	[tilespmem:$0x51B0] =	vst v0  }
0x33: {  	[tilespmem:$0x51C0] =	vst v0  }
0x34: {  	[tilespmem:$0x51D0] =	vst v0  }
0x35: {  	[tilespmem:$0x51E0] =	vst v0  }
0x36: {  	[tilespmem:$0x51F0] =	vst v0  }
0x37: {  	[tilespmem:$0x4F00] =	vst v1  }
0x38: {  	[tilespmem:$0x4F10] =	vst v1  }
0x39: {  	[tilespmem:$0x4F20] =	vst v1  }
0x3a: {  	[tilespmem:$0x4F30] =	vst v1  }
0x3b: {  	[tilespmem:$0x4F40] =	vst v1  }
0x3c: {  	[tilespmem:$0x4F50] =	vst v1  }
0x3d: {  	[tilespmem:$0x4F60] =	vst v1;
	s16 =	simm.s32 $0x20  }
0x3e: {  	[tilespmem:$0x4F70] =	vst v1;
	s19 =	sadd.s32 $0x0, s7;
	s17 =	simm.s32 $0x100;
	s18 =	simm.s32 $0x0  }
.LBB2_2:
0x3f: {  	[tilespmem:s18], [sflag:$0x1] =	stream.linear.gather [hbm4b:s19+s2], $0x100, $0x38;
	[tilespmem:$0x5480] =	vst v63  }
0x40: {  	s19 =	smov.u32 s16;
	s18 =	smov.u32 s17;
	p2 =	sne.s32 s16, $0x9A0  }
.Ltmp0:
0x41: {  	s16 =	sadd.s32 $0x20, s16;
	(pc) =	sbr.rel @p2 .LBB2_2-.Ltmp0, $2  }
0x42: {  	_ =	sdelay $0x2  }
0x43: {  	s17 =	sadd.s32 $0x100, s17;
	s19 =	sadd.s32 s19, s7  }
0x44: {  	[tilespmem:s18], [sflag:$0x1] =	stream.linear.gather [hbm4b:s19+s2], $0x100, $0x38;
	[tilespmem:$0x5480] =	vst v63  }
0x45: {  	s16 =	simm.s32 @!p1 $0x0;
	s17 =	simm.s32 @!p1 $0x4E00  }
0x46: {  	[tilespmem:s17], [sflag:$0x1] =	stream.linear.gather @!p1 [hbm4b:s3+s16], $0x100, $0x38;
	[tilespmem:$0x5480] =	vst v63  }
0x47: {  	_ = 	snop  }
0x48: {  	[spmem:s4] =	stream.linear.scatter [tilespmem:s8], [sflag:$0x3], $0x280, $0x38;
	[tilespmem:$0x5480] =	vst v63  }
0x49: {  	_ =	swait.ge [sflag:s9], $0x280  }
0x4a: {  	[sflag:s9] =	ssyncset.done $0x0  }
0x4b: {  	[sflag:s9] =	ssyncadd.s32 $0xFFFFFD80  }
0x4c: {  	_ =	swait.ge [sflag:s10], $0x100  }
0x4d: {  	s16 =	simm.s32 $0x4D;
	[sflag:s10] =	ssyncset.done $0x0  }
.LBB2_4:
0x4e: {  	p2 =	sne.s32 s16, $0x1;
	s16 =	sadd.s32 $0xFFFFFFFF, s16;
	[sflag:s10] =	ssyncadd.s32 $0xFFFFFF00  }
.Ltmp1:
0x4f: {  	(pc) =	sbr.rel @p2 .LBB2_4-.Ltmp1, $3  }
0x50: {  	_ =	sdelay $0x1  }
0x51: {  	_ =	swait.ge [sflag:s10], $0x100  }
0x52: {  	[sflag:s10] =	ssyncset.done $0x0  }
0x53: {  	[sflag:s10] =	ssyncadd.s32 $0xFFFFFF00;
	s16 =	simm.s32 @!p1 $0x1  }
0x54: {  	_ =	swait.ge @!p1 [sflag:s16], $0x100  }
0x55: {  	[sflag:s16] =	ssyncset.done @!p1 $0x0  }
0x56: {  	[sflag:s16] =	ssyncadd.s32 @!p1 $0xFFFFFF00  }
0x57: {  	s17 =	simm.s32 $0x80;
	s16 =	simm.s32 $0x600;
	[bflag:$0x0] =	sbarrier.arrive $0xFFFF  }
.LBB2_6:
0x58: {  	[spmem:s1] =	stream.indirect.scatter.add.f32 [tilespmem:s12], [sflag:$0x2], $0x1, s17, s11, $0xb8;
	[tilespmem:$0x5480] =	vst v63  }
0x59: {  	s17 =	smov.u32 s16;
	p2 =	sne.s32 s16, $0x13600  }
.Ltmp2:
0x5a: {  	s16 =	sadd.s32 $0x400, s16;
	(pc) =	sbr.rel @p2 .LBB2_6-.Ltmp2, $2  }
0x5b: {  	_ =	sdelay $0x2  }
0x5c: {  	s17 =	sshra.s32 s17, $0x2  }
0x5d: {  	[spmem:s1] =	stream.indirect.scatter.add.f32 [tilespmem:s12], [sflag:$0x2], $0x1, s17, s11, $0xb8;
	[tilespmem:$0x5480] =	vst v63  }
0x5e: {  	s16 =	simm.s32 @!p1 $0x80;
	s17 =	simm.s32 @!p1 $0x4E80;
	s18 =	simm.s32 @!p1 $0x4F00  }
0x5f: {  	[spmem:s1] =	stream.indirect.scatter.add.f32 @!p1 [tilespmem:s18], [sflag:$0x2], $0x1, s17, s16, $0xb8;
	[tilespmem:$0x5480] =	vst v63  }
0x60: {  	_ =	swait.ge [sflag:s13], $0x80  }
0x61: {  	s16 =	simm.s32 $0x4D;
	[sflag:s13] =	ssyncset.done $0x0  }
.LBB2_8:
0x62: {  	p2 =	sne.s32 s16, $0x1;
	s16 =	sadd.s32 $0xFFFFFFFF, s16;
	[sflag:s13] =	ssyncadd.s32 $0xFFFFFF80  }
.Ltmp3:
0x63: {  	(pc) =	sbr.rel @p2 .LBB2_8-.Ltmp3, $3  }
0x64: {  	_ =	sdelay $0x1  }
0x65: {  	_ =	swait.ge [sflag:s13], $0x80  }
0x66: {  	[sflag:s13] =	ssyncset.done $0x0  }
0x67: {  	[sflag:s13] =	ssyncadd.s32 $0xFFFFFF80;
	s16 =	simm.s32 @!p1 $0x2  }
0x68: {  	_ =	swait.ge @!p1 [sflag:s16], $0x80  }
0x69: {  	s17 =	simm.s32 @!p0 $0x20;
	s18 =	simm.s32 @!p0 $0x10;
	[sflag:s16] =	ssyncset.done @!p1 $0x0  }
0x6a: {  	s19 =	simm.s32 @!p0 $0x1C03;
	s15 =	sadd.s32 $0x1, s15;
	[sflag:s16] =	ssyncadd.s32 @!p1 $0xFFFFFF80  }
0x6b: {  	p2 =	sne.s32 s15, s6;
	s16 =	simm.s32 @!p0 $0x1;
	[bflag:$0x0] =	sbarrier.arrive $0xFFFF  }
0x6c: {  	[hbm:s5@s17], [sflag:s19] =	dma.strided @!p0 [spmem:s14@s18], $0x500, s16, $0x10   }
.Ltmp4:
0x6d: {  	_ = 	snop;
	(pc) =	sbr.rel @p2 .LBB2_1-.Ltmp4, $4  }
0x6e: {  	s16 =	simm.s32 @!p0 $0x3  }
0x6f: {  	_ =	swait.ge @!p0 [sflag:s16], $0x500  }
0x70: {  	[sflag:s16] =	ssyncset.done @!p0 $0x0  }
0x71: {  	[sflag:s16] =	ssyncadd.s32 @!p0 $0xFFFFFB00  }
0x72: {  	_ =	sfence.sel $0x180000  }
0x73: {  	[bflag:$0x0] =	sbarrier.arrive $0xFFFF  }
0x74: {  	_ =	strace $0x90000047  }
0x75: {  	s0 =	sadd.s32 @!p0 $0x100000, s0;
	[bflag:$0x2] =	sbarrier.arrive $0xFFFF  }
0x76: {  	[sflag:s0] =	ssyncadd.tile.s32 @!p0 $0x1;
	_ =	shalt  }
.Lfunc_end2:
_tile_overlayer_lowered:
.L_overlay_start_2:
0x77: {  	(tag) =	ssettag $0x2  }
0x78: {  	s0 =	rddreg [dreg:$0x0];
	s2 =	stileid.u32  }
0x79: {  	s1 =	rddreg [dreg:$0x1];
	p0 =	sne.s32 s2, $0x0  }
0x7a: {  	s3 =	rddreg [dreg:$0x2];
	[bflag:$0x3] =	sbarrier.arrive $0xFFFF;
	s2 =	simm.s32 @!p0 $0x1C03  }
0x7b: {  	[timem:s3], [sflag:s2] =	dma.local @!p0 [hbm:s0], s1  }
0x7c: {  	s0 =	simm.s32 @!p0 $0x3  }
0x7d: {  	_ =	swait.ge @!p0 [sflag:s0], s1  }
0x7e: {  	s1 =	ssub.s32 @!p0 $0x0, s1;
	[sflag:s0] =	ssyncset.done @!p0 $0x0  }
0x7f: {  	[sflag:s0] =	ssyncadd.s32 @!p0 s1  }
0x80: {  	[bflag:$0x3] =	sbarrier.arrive $0xFFFF  }
0x81: {  	_ =	shalt  }

// kernel: kernel.9.cloned.1.call-start
scs
__scs_entry_jumppad:
0x0: {  	(pc) =	sbr.rel $0x88, $3  }
0x1: {  	(tag) =	ssettag $0x0;
	lr =	simm.s32 $0x1  }
0x2: {  	[smem:$0x3F9C] =	sst lr;
	_ =	strace $0xD0000000  }
0x3: {  	_ = 	snop  }
0x4: {  	_ = 	snop  }
0x5: {  	_ = 	snop  }
0x6: {  	_ = 	snop  }
0x7: {  	_ = 	snop  }
__scs_overlays_trampoline_lowered:
0x8: {  	[smem:$0x3FAB] =	sst s0  }
0x9: {  	[smem:$0x3FAC] =	sst s1  }
0xa: {  	[smem:$0x3FAD] =	sst s2  }
0xb: {  	[smem:$0x3FAE] =	sst s3  }
0xc: {  	[smem:$0x3FAF] =	sst s4  }
0xd: {  	[smem:$0x3FB0] =	sst s5  }
0xe: {  	[smem:$0x3FB1] =	sst s6  }
0xf: {  	[smem:$0x3FB2] =	sst s7  }
0x10: {  	[smem:$0x3FB3] =	sst s8  }
0x11: {  	[smem:$0x3FB4] =	sst s9;
	s0 =	simm.s32 @!p0 $0x0  }
0x12: {  	s1 =	sld [smem:$0x3F9A];
	s0 =	simm.s32 @p0 $0x1  }
0x13: {  	[smem:$0x3FB5] =	sst s0;
	s0 =	simm.s32 @!p1 $0x0  }
0x14: {  	s2 =	sld [smem:$0x3F99];
	s0 =	simm.s32 @p1 $0x1  }
0x15: {  	[smem:$0x3FB6] =	sst s0;
	s0 =	simm.s32 @!p2 $0x0  }
0x16: {  	s3 =	sld [smem:$0x3FDB];
	s0 =	simm.s32 @p2 $0x1  }
0x17: {  	s4 =	simm.s32 $0x1BF5;
	[smem:$0x3FB8] =	sst s0  }
0x18: {  	s0 =	sld [smem:$0x3F9B];
	_ =	swait.ge [sflag:s4], $0x0  }
0x19: {  	s7 =	sld [smem:$0x3F9C]  }
0x1a: {  	s8 =	sadd.s32 $0xFFFFE003, lr  }
0x1b: {  	s9 =	sadd.s32 $0xFFFFFEF7, lr;
	s5 =	simm.s32 $0xFFFFFFFF;
	p2 =	slt.u32 s8, $0xFFFFF086  }
0x1c: {  	p1 =	slt.u32 s9, $0xF7A;
	s5 =	simm.s32 @!p2 $0x0  }
0x1d: {  	s5 =	simm.s32 @p1 $0x1;
	p0 =	seq.s32 s7, s2  }
0x1e: {  	s7 =	smul.u32 @!p0 $0xF7A, s2;
	p2 =	seq.s32 @!p0 s5, $0x0  }
0x1f: {  	s9 =	smul.u32 $0xF7A, s1;
	s8 =	simm.s32 @!p0 $0x1BF5;
	p2 =	por !p2, p0  }
0x20: {  	[sflag:s8] =	ssyncset.s32 @!p0 $0xFFFFF086;
	s6 =	sadd.s32 @!p0 s3, s7;
	s7 =	simm.s32 @!p0 $0x108  }
0x21: {  	s3 =	sadd.s32 s3, s9;
	s6 =	sadd.s32 @!p0 $0x88, s6;
	s7 =	simm.s32 @p2 $0x1082  }
0x22: {  	[simem:s7], [sflag:s8] =	dma.local @!p0 [hbm:s6], $0xF7A  }
0x23: {  	s9 =	sor.u32 $0xD0000000, s2;
	s6 =	simm.s32 $0x108;
	_ =	swait.ge @!p0 [sflag:s8], $0x0  }
0x24: {  	s3 =	sadd.s32 $0x88, s3;
	s6 =	simm.s32 @!p1 $0x1082;
	[sflag:s4] =	ssyncset.s32 $0xFFFFF086  }
0x25: {  	[simem:s6], [sflag:s4] =	dma.local [hbm:s3], $0xF7A  }
0x26: {  	[smem:$0x3F9C] =	sst s1;
	(tag) =	ssettag s2;
	_ =	strace s9  }
0x27: {  	s1 =	sld [smem:$0x3FAC]  }
0x28: {  	s2 =	sld [smem:$0x3FAD]  }
0x29: {  	s4 =	sld [smem:$0x3FAF]  }
0x2a: {  	p0 =	seq.s32 s5, $0x0;
	s5 =	sld [smem:$0x3FB0]  }
0x2b: {  	s6 =	sld [smem:$0x3FB1]  }
0x2c: {  	s7 =	sld [smem:$0x3FB2]  }
0x2d: {  	s3 =	simm.s32 $0x108;
	s8 =	sld [smem:$0x3FB3]  }
0x2e: {  	s3 =	simm.s32 @!p0 $0x1082;
	s9 =	sld [smem:$0x3FB4]  }
0x2f: {  	lr =	sadd.s32 s0, s3;
	s0 =	sld [smem:$0x3FAB]  }
0x30: {  	s3 =	sld [smem:$0x3FAE]  }
0x31: {  	[smem:$0x3FB7] =	sst s10  }
0x32: {  	s10 =	sld [smem:$0x3FB5];
	_ =	sdelay $0x3  }
0x33: {  	p0 =	seq.s32 s10, $0x1;
	s10 =	sld [smem:$0x3FB7];
	_ =	sdelay $0x3  }
0x34: {  	[smem:$0x3FB7] =	sst s10  }
0x35: {  	s10 =	sld [smem:$0x3FB6];
	_ =	sdelay $0x3  }
0x36: {  	p1 =	seq.s32 s10, $0x1;
	s10 =	sld [smem:$0x3FB7];
	_ =	sdelay $0x3  }
0x37: {  	[smem:$0x3FB7] =	sst s10  }
0x38: {  	s10 =	sld [smem:$0x3FB8]  }
0x39: {  	_ = 	snop;
	(pc) =	sbr.ind lr, $3  }
0x3a: {  	_ = 	snop  }
0x3b: {  	_ = 	snop  }
0x3c: {  	p2 =	seq.s32 s10, $0x1;
	s10 =	sld [smem:$0x3FB7]  }
0x3d: {  	_ =	shalt  }
0x3e: {  	_ =	shalt  }
0x3f: {  	_ =	shalt  }
0x40: {  	_ =	shalt  }
0x41: {  	_ =	shalt  }
0x42: {  	_ =	shalt  }
0x43: {  	_ =	shalt  }
0x44: {  	_ =	shalt  }
0x45: {  	_ =	shalt  }
0x46: {  	_ =	shalt  }
0x47: {  	_ =	shalt  }
0x48: {  	_ =	shalt  }
0x49: {  	_ =	shalt  }
0x4a: {  	_ =	shalt  }
0x4b: {  	_ =	shalt  }
0x4c: {  	_ =	shalt  }
0x4d: {  	_ =	shalt  }
0x4e: {  	_ =	shalt  }
0x4f: {  	_ =	shalt  }
0x50: {  	_ =	shalt  }
0x51: {  	_ =	shalt  }
0x52: {  	_ =	shalt  }
0x53: {  	_ =	shalt  }
0x54: {  	_ =	shalt  }
0x55: {  	_ =	shalt  }
0x56: {  	_ =	shalt  }
0x57: {  	_ =	shalt  }
0x58: {  	_ =	shalt  }
0x59: {  	_ =	shalt  }
0x5a: {  	_ =	shalt  }
0x5b: {  	_ =	shalt  }
0x5c: {  	_ =	shalt  }
0x5d: {  	_ =	shalt  }
0x5e: {  	_ =	shalt  }
0x5f: {  	_ =	shalt  }
0x60: {  	_ =	shalt  }
0x61: {  	_ =	shalt  }
0x62: {  	_ =	shalt  }
0x63: {  	_ =	shalt  }
0x64: {  	_ =	shalt  }
0x65: {  	_ =	shalt  }
0x66: {  	_ =	shalt  }
0x67: {  	_ =	shalt  }
0x68: {  	_ =	shalt  }
0x69: {  	_ =	shalt  }
0x6a: {  	_ =	shalt  }
0x6b: {  	_ =	shalt  }
0x6c: {  	_ =	shalt  }
0x6d: {  	_ =	shalt  }
0x6e: {  	_ =	shalt  }
0x6f: {  	_ =	shalt  }
0x70: {  	_ =	shalt  }
0x71: {  	_ =	shalt  }
0x72: {  	_ =	shalt  }
0x73: {  	_ =	shalt  }
0x74: {  	_ =	shalt  }
0x75: {  	_ =	shalt  }
0x76: {  	_ =	shalt  }
0x77: {  	_ =	shalt  }
0x78: {  	_ =	shalt  }
0x79: {  	_ =	shalt  }
0x7a: {  	_ =	shalt  }
0x7b: {  	_ =	shalt  }
0x7c: {  	_ =	shalt  }
0x7d: {  	_ =	shalt  }
0x7e: {  	_ =	shalt  }
0x7f: {  	_ =	shalt  }
0x80: {  	_ =	shalt  }
0x81: {  	_ =	shalt  }
0x82: {  	_ =	shalt  }
0x83: {  	_ =	shalt  }
0x84: {  	_ =	shalt  }
0x85: {  	_ =	shalt  }
0x86: {  	_ =	shalt  }
0x87: {  	_ =	shalt  }
.Lfunc_end0:
.L_simem_size_0:
called_computation.1_lowered:
.L_overlay_start_0:
0x88: {  	s2 =	sld [smem:$0x3FD9]  }
0x89: {  	s3 =	sld [smem:$0x3FFE];
	_ =	sdelay $0x1  }
0x8a: {  	s1 =	srdreg.scid  }
0x8b: {  	s0 =	sand.u32 $0x1, s1  }
0x8c: {  	s17 =	sshll.u32 s0, $0xA;
	s2 =	sadd.s32 s3, s2  }
0x8d: {  	s2 =	sadd.s32 s2, s17  }
0x8e: {  	[smem:$0x3FC3] =	sst s2  }
0x8f: {  	_ = 	snop  }
0x90: {  	s2 =	sld [smem:$0x3FC8]  }
0x91: {  	s18 =	sld [smem:$0x3FD0];
	(tm) =	ssettm $0x1  }
0x92: {  	s4 =	sld [smem:$0x3FFB];
	_ =	sdelay $0x3  }
0x93: {  	_ =	strace s4  }
0x94: {  	s4 =	sld [smem:$0x3FFC];
	_ =	sdelay $0x3  }
0x95: {  	_ =	strace s4  }
0x96: {  	s4 =	sld [smem:$0x3FFD];
	_ =	sdelay $0x3  }
0x97: {  	_ =	strace s4  }
0x98: {  	_ =	strace $0x8FFFFFFF  }
0x99: {  	s19 =	sld [smem:$0x3FDB];
	_ =	sdelay $0x1  }
0x9a: {  	s5 =	simm.s32 $_scs_section_size  }
0x9b: {  	s6 =	simm.s32 $_size__tile_overlayer_lowered;
	s7 =	simm.s32 $_tile_overlayer_lowered  }
0x9c: {  	s22 =	simm.s32 $0x1BFF;
	s21 =	sshll.u32 s7, $0x1;
	s4 =	sadd.s32 s5, s19  }
0x9d: {  	s8 =	simm.s32 $0x0;
	s20 =	sshll.u32 s6, $0x1;
	s6 =	sadd.s32 s21, s4  }
0x9e: {  	[timem:s8], [sflag:s22] =	dma.local [hbm:s6], s20  }
0x9f: {  	_ =	swait.ge [sflag:s22], s20  }
0xa0: {  	s5 =	ssub.s32 $0x0, s20;
	[sflag:s22] =	ssyncset.done $0x0  }
0xa1: {  	[sflag:s22] =	ssyncadd.s32 s5;
	_ =	sdelay $0x1  }
0xa2: {  	s23 =	simm.s32 $0x1B8B  }
0xa3: {  	_ =	swait.ge [sflag:s23], $0x1  }
0xa4: {  	[sflag:s23] =	ssyncset.done $0x0  }
0xa5: {  	s25 =	simm.s32 $0x1B8E;
	s24 =	sld [smem:$0x3FFE];
	[sflag:s23] =	ssyncadd.s32 $0xFFFFFFFF  }
0xa6: {  	s26 =	simm.s32 $execute0_lowered;
	[smem:$0x3FD2] =	sst s25  }
0xa7: {  	s6 =	sshll.u32 s26, $0x1;
	_ =	strace $0x80000049;
	[dreg:$0x1] =	wrdreg $0xFFFFFFFF  }
0xa8: {  	s28 =	simm.s32 $_size_execute0_lowered;
	s4 =	sadd.s32 s4, s6;
	[dreg:$0x0] =	wrdreg $0x0  }
0xa9: {  	s6 =	sshll.u32 s28, $0x1;
	[dreg:$0x2] =	wrdreg s4  }
0xaa: {  	[dreg:$0x3] =	wrdreg s6  }
0xab: {  	[dreg:$0x4] =	wrdreg $0xC0  }
0xac: {  	_ =	task [dreg:s8], $0x5FFFF  }
0xad: {  	[dreg:$0x1] =	wrdreg $0xFFFFFFFF  }
0xae: {  	[dreg:$0x0] =	wrdreg $0x60  }
0xaf: {  	[dreg:$0x2] =	wrdreg s18  }
0xb0: {  	[dreg:$0x3] =	wrdreg s2  }
0xb1: {  	[dreg:$0x4] =	wrdreg s24  }
0xb2: {  	[dreg:$0x5] =	wrdreg $0x84000  }
0xb3: {  	[dreg:$0x6] =	wrdreg $0x9  }
0xb4: {  	_ =	task.clear_ibuf [dreg:s8], $0x7FFFF;
	_ =	strace $0x90000049  }
0xb5: {  	s29 =	simm.s32 $0x9;
	_ =	strace $0x8000004B  }
0xb6: {  	_ =	swait.ge [sflag:s29], $0x1  }
0xb7: {  	[sflag:s29] =	ssyncadd.s32 $0xFFFFFFFF  }
0xb8: {  	_ =	strace $0x9000004B  }
0xb9: {  	_ =	sfence  }
0xba: {  	s30 =	sld [smem:$0x0];
	_ =	sdelay $0x2  }
0xbb: {  	s31 =	sshll.u32 s1, $0xD;
	s1 =	sshrl.u32 s1, $0x2  }
0xbc: {  	s3 =	sand.u32 $0x4000, s31;
	s1 =	sadd.s32 s1, s30  }
0xbd: {  	s0 =	sor.u32 s3, s0;
	s1 =	sshll.u32 s1, $0x11  }
0xbe: {  	s0 =	sor.u32 s1, s0  }
0xbf: {  	s0 =	sadd.s32 $0x8F2B, s0  }
0xc0: {  	[sflag:s0] =	ssyncadd.remote.s32 $0x1  }
0xc1: {  	_ =	sfence.sel $0xFFFF  }
0xc2: {  	[dreg:$0x0] =	wrdreg $0xFFFFFFFF;
	(pc) =	sbr.abs _section_cstart, $3  }
0xc3: {  	[dreg:$0x1] =	wrdreg $0xFFFFFFFF  }
0xc4: {  	_ =	task.clear_ibuf [dreg:s8], $0x2FFFF;
	_ =	strace $0x9FFFFFFF  }
0xc5: {  	(tm) =	ssettm $0x7FFFFFFF  }
tec
execute0_lowered:
.L_overlay_start_1:
0x0: {  	(tag) =	ssettag $0x1  }
0x1: {  	s1 =	rddreg [dreg:$0x0]  }
0x2: {  	s2 =	rddreg [dreg:$0x1]  }
0x3: {  	s0 =	rddreg [dreg:$0x2]  }
0x4: {  	s4 =	rddreg [dreg:$0x3];
	s3 =	srdreg.scid  }
0x5: {  	s13 =	stileid.u32;
	s5 =	simm.s32 $0x0;
	s28 =	simm.s32 $0x4  }
0x6: {  	s29 =	simm.s32 $0x4400;
	s30 =	simm.s32 $0x1;
	s7 =	smul.u32 $0x14000, s13  }
0x7: {  	s31 =	simm.s32 $0x5;
	s3 =	sand.u32 $0x1, s3;
	s11 =	smul.u32 $0x50000, s13  }
0x8: {  	[smem:$0x7FF] =	sst s5;
	s6 =	smul.u32 $0x140000, s3;
	s8 =	sshll.u32 s3, $0x4  }
0x9: {  	s9 =	ssub.s32 $0x2, s3;
	s3 =	smul.u32 $0x4E0, s3;
	s8 =	sor.u32 s13, s8  }
0xa: {  	s26 =	sadd.s32 $0x20, s2;
	_ =	strace $0x8000004A;
	s22 =	smul.u32 $0x9C0, s8  }
0xb: {  	s23 =	sshrl.u32 s9, $0x1;
	s6 =	sadd.s32 s7, s6;
	s10 =	smul.u32 $0x4E00, s8  }
0xc: {  	s11 =	sshrl.u32 s11, $0x2;
	s17 =	smul.u32 $0x4E, s8;
	s6 =	sshrl.u32 s6, $0x3  }
0xd: {  	p0 =	sgt.u32 s8, $0x3;
	s8 =	simm.s32 $0x0;
	s0 =	sadd.s32 s6, s0  }
0xe: {  	s6 =	ssub.s32 s9, s23;
	s24 =	sadd.s32 s2, s22;
	s25 =	sshrl.u32 s10, $0x3  }
0xf: {  	s7 =	sadd.s32 s22, s26;
	s9 =	sadd.s32 s11, s4;
	s21 =	sadd.s32 $0x6, s17  }
0x10: {  	s22 =	smul.u32 $0x4E, s13;
	s23 =	sshll.u32 s13, $0x5;
	[dreg:$0x8] =	wrdreg s24  }
0x11: {  	s12 =	sadd.s32 s2, s25;
	[dreg:$0x9] =	wrdreg s7;
	s16 =	sadd.s32 $0x4000, s9  }
0x12: {  	s18 =	sadd.s32 $0x8000, s9;
	s19 =	sadd.s32 $0xC000, s9;
	[dreg:$0x5] =	wrdreg s21  }
0x13: {  	s20 =	sadd.s32 $0x10000, s9;
	s7 =	sadd.s32 $0x7, s17;
	[dreg:$0xc] =	wrdreg s16  }
0x14: {  	s24 =	sadd.s32 s23, s2;
	s0 =	sadd.s32 $0x1A00, s0;
	[dreg:$0xd] =	wrdreg s18  }
0x15: {  	s17 =	smax.u32 s6, $0x1;
	s21 =	simm.s32 $0x200;
	[dreg:$0xe] =	wrdreg s19  }
0x16: {  	s23 =	simm.s32 $0x400;
	s6 =	simm.s32 $0x6;
	[dreg:$0xf] =	wrdreg s20  }
0x17: {  	s14 =	sadd.s32 $0x40, s12;
	s15 =	sadd.s32 $0x60, s12;
	[dreg:$0x6] =	wrdreg s7  }
0x18: {  	s3 =	sadd.s32 s22, s3;
	s7 =	sadd.s32 $0x13800, s24;
	[dreg:$0x11] =	wrdreg s0  }
0x19: {  	s20 =	simm.s32 $0x100;
	s22 =	simm.s32 $0x300;
	[dreg:$0xa] =	wrdreg s14  }
0x1a: {  	s24 =	simm.s32 $0x7;
	[dreg:$0xb] =	wrdreg s15;
	s25 =	sshll.u32 s3, $0x5  }
0x1b: {  	[dreg:$0x10] =	wrdreg s7;
	s7 =	simm.s32 $0x380;
	s3 =	sadd.s32 s26, s25  }
0x1c: {  	s0 =	sadd.s32 s2, s25;
	s26 =	simm.s32 $0x280;
	s25 =	simm.s32 $0x3  }
0x1d: {  	s18 =	sadd.s32 $0x80, s3;
	s19 =	sadd.s32 $0x80, s0;
	[dreg:$0x7] =	wrdreg s26  }
0x1e: {  	v0 =	vimm.f32 $0.0e+00;
	s26 =	simm.s32 $0x80;
	s0 =	simm.s32 $0x2;
	s3 =	simm.s32 $0x180  }
.LBB2_1:
0x1f: {  	s10 =	rddreg [dreg:$0x8]  }
0x20: {  	[tilespmem:s5], [sflag:$0x3] =	stream.linear.gather [hbm4b:s10+s5], $0x100, $0x38;
	[tilespmem:$0x1C400] =	vst v63  }
0x21: {  	s14 =	rddreg [dreg:$0x9]  }
0x22: {  	[tilespmem:s20], [sflag:$0x4] =	stream.linear.gather [hbm4b:s14+s5], $0x100, $0x38;
	[tilespmem:$0x1C400] =	vst v63  }
0x23: {  	s15 =	rddreg [dreg:$0xa]  }
0x24: {  	[tilespmem:s21], [sflag:$0x5] =	stream.linear.gather [hbm4b:s15+s5], $0x100, $0x38;
	[tilespmem:$0x1C400] =	vst v63  }
0x25: {  	s16 =	rddreg [dreg:$0xb];
	s11 =	simm.s32 $0x200;
	s10 =	simm.s32 $0x0  }
0x26: {  	[tilespmem:s22], [sflag:$0x6] =	stream.linear.gather [hbm4b:s16+s5], $0x100, $0x38;
	[tilespmem:$0x1C400] =	vst v63  }
.LBB2_2:
0x27: {  	p1 =	sne.s32 s11, $0xFE00;
	[tilespmem:s10+$0x470] =	vst v0  }
0x28: {  	[tilespmem:s10+$0x400] =	vst v0  }
0x29: {  	[tilespmem:s10+$0x410] =	vst v0  }
.Ltmp0:
0x2a: {  	[tilespmem:s10+$0x420] =	vst v0;
	(pc) =	sbr.rel @p1 .LBB2_2-.Ltmp0, $4  }
0x2b: {  	[tilespmem:s10+$0x430] =	vst v0  }
0x2c: {  	[tilespmem:s10+$0x440] =	vst v0  }
0x2d: {  	[tilespmem:s10+$0x450] =	vst v0  }
0x2e: {  	[tilespmem:s10+$0x460] =	vst v0;
	s10 =	sshra.s32 s11, $0x2;
	s11 =	sadd.s32 $0x200, s11  }
0x2f: {  	[tilespmem:s10+$0x470] =	vst v0  }
0x30: {  	[tilespmem:s10+$0x400] =	vst v0  }
0x31: {  	[tilespmem:s10+$0x410] =	vst v0  }
0x32: {  	[tilespmem:s10+$0x420] =	vst v0  }
0x33: {  	[tilespmem:s10+$0x430] =	vst v0  }
0x34: {  	[tilespmem:s10+$0x440] =	vst v0  }
0x35: {  	[tilespmem:s10+$0x450] =	vst v0  }
0x36: {  	[tilespmem:s10+$0x460] =	vst v0  }
0x37: {  	[spmem:s9] =	stream.linear.scatter [tilespmem:s23], [sflag:$0x7], $0x4000, $0x38;
	[tilespmem:$0x1C400] =	vst v63  }
0x38: {  	_ =	swait.ge [sflag:s24], $0x4000  }
0x39: {  	[sflag:s24] =	ssyncset.done $0x0  }
0x3a: {  	s12 =	rddreg [dreg:$0xc];
	[sflag:s24] =	ssyncadd.s32 $0xFFFFC000  }
0x3b: {  	[spmem:s12] =	stream.linear.scatter [tilespmem:s23], [sflag:$0x7], $0x4000, $0x38;
	[tilespmem:$0x1C400] =	vst v63  }
0x3c: {  	_ =	swait.ge [sflag:s24], $0x4000  }
0x3d: {  	[sflag:s24] =	ssyncset.done $0x0  }
0x3e: {  	s13 =	rddreg [dreg:$0xd];
	[sflag:s24] =	ssyncadd.s32 $0xFFFFC000  }
0x3f: {  	[spmem:s13] =	stream.linear.scatter [tilespmem:s23], [sflag:$0x7], $0x4000, $0x38;
	[tilespmem:$0x1C400] =	vst v63  }
0x40: {  	_ =	swait.ge [sflag:s24], $0x4000  }
0x41: {  	[sflag:s24] =	ssyncset.done $0x0  }
0x42: {  	s14 =	rddreg [dreg:$0xe];
	[sflag:s24] =	ssyncadd.s32 $0xFFFFC000  }
0x43: {  	[spmem:s14] =	stream.linear.scatter [tilespmem:s23], [sflag:$0x7], $0x4000, $0x38;
	[tilespmem:$0x1C400] =	vst v63  }
0x44: {  	_ =	swait.ge [sflag:s24], $0x4000  }
0x45: {  	[sflag:s24] =	ssyncset.done $0x0  }
0x46: {  	s15 =	rddreg [dreg:$0xf];
	[sflag:s24] =	ssyncadd.s32 $0xFFFFC000  }
0x47: {  	[spmem:s15] =	stream.linear.scatter [tilespmem:s23], [sflag:$0x7], $0x4000, $0x38;
	[tilespmem:$0x1C400] =	vst v63  }
0x48: {  	_ =	swait.ge [sflag:s24], $0x4000  }
0x49: {  	[sflag:s24] =	ssyncset.done $0x0  }
0x4a: {  	[sflag:s24] =	ssyncadd.s32 $0xFFFFC000  }
0x4b: {  	_ =	swait.ge [sflag:s25], $0x100  }
0x4c: {  	[sflag:s25] =	ssyncset.done $0x0  }
0x4d: {  	s11 =	simm.s32 $0x0;
	[sflag:s25] =	ssyncadd.s32 $0xFFFFFF00  }
0x4e: {  	[tilespmem:s23], [sflag:$0x1] =	stream.indirect.gather [hbm4b:s1+s26], $0x80, s11, s26, $0xb8;
	[tilespmem:$0x1C400] =	vst v63  }
0x4f: {  	_ =	swait.ge [sflag:s28], $0x100  }
0x50: {  	[sflag:s28] =	ssyncset.done $0x0  }
0x51: {  	[sflag:s28] =	ssyncadd.s32 $0xFFFFFF00  }
0x52: {  	[tilespmem:s29], [sflag:$0x2] =	stream.indirect.gather [hbm4b:s1+s26], $0x80, s20, s26, $0xb8;
	[tilespmem:$0x1C400] =	vst v63  }
0x53: {  	[bflag:$0x0] =	sbarrier.arrive $0xFFFF  }
0x54: {  	_ =	swait.ge [sflag:s30], $0x4000  }
0x55: {  	[sflag:s30] =	ssyncset.done $0x0  }
0x56: {  	[sflag:s30] =	ssyncadd.s32 $0xFFFFC000  }
0x57: {  	[spmem:s4] =	stream.indirect.scatter.add.f32 [tilespmem:s23], [sflag:$0x7], $0x80, s26, s26, $0xb8;
	[tilespmem:$0x1C400] =	vst v63  }
0x58: {  	_ =	swait.ge [sflag:s24], $0x4000  }
0x59: {  	[sflag:s24] =	ssyncset.done $0x0  }
0x5a: {  	[sflag:s24] =	ssyncadd.s32 $0xFFFFC000  }
0x5b: {  	_ =	swait.ge [sflag:s31], $0x100  }
0x5c: {  	[sflag:s31] =	ssyncset.done $0x0  }
0x5d: {  	[sflag:s31] =	ssyncadd.s32 $0xFFFFFF00  }
0x5e: {  	[tilespmem:s23], [sflag:$0x1] =	stream.indirect.gather [hbm4b:s1+s26], $0x80, s21, s26, $0xb8;
	[tilespmem:$0x1C400] =	vst v63  }
0x5f: {  	_ =	swait.ge [sflag:s0], $0x4000  }
0x60: {  	[sflag:s0] =	ssyncset.done $0x0  }
0x61: {  	[sflag:s0] =	ssyncadd.s32 $0xFFFFC000  }
0x62: {  	[spmem:s4] =	stream.indirect.scatter.add.f32 [tilespmem:s29], [sflag:$0x7], $0x80, s3, s26, $0xb8;
	[tilespmem:$0x1C400] =	vst v63  }
0x63: {  	_ =	swait.ge [sflag:s24], $0x4000  }
0x64: {  	[sflag:s24] =	ssyncset.done $0x0  }
0x65: {  	[sflag:s24] =	ssyncadd.s32 $0xFFFFC000  }
0x66: {  	_ =	swait.ge [sflag:s6], $0x100  }
0x67: {  	[sflag:s6] =	ssyncset.done $0x0  }
0x68: {  	[sflag:s6] =	ssyncadd.s32 $0xFFFFFF00  }
0x69: {  	[tilespmem:s29], [sflag:$0x2] =	stream.indirect.gather [hbm4b:s1+s26], $0x80, s22, s26, $0xb8;
	[tilespmem:$0x1C400] =	vst v63  }
0x6a: {  	_ = 	snop  }
0x6b: {  	[tilespmem:s5], [sflag:$0x3] =	stream.linear.gather [hbm4b:s19+s5], $0x100, $0x38;
	[tilespmem:$0x1C400] =	vst v63  }
0x6c: {  	_ = 	snop  }
0x6d: {  	[tilespmem:s20], [sflag:$0x4] =	stream.linear.gather [hbm4b:s18+s5], $0x100, $0x38;
	[tilespmem:$0x1C400] =	vst v63  }
0x6e: {  	_ =	swait.ge [sflag:s30], $0x4000  }
0x6f: {  	[sflag:s30] =	ssyncset.done $0x0  }
0x70: {  	s16 =	rddreg [dreg:$0x7];
	[sflag:s30] =	ssyncadd.s32 $0xFFFFC000  }
0x71: {  	[spmem:s4] =	stream.indirect.scatter.add.f32 [tilespmem:s23], [sflag:$0x7], $0x80, s16, s26, $0xb8;
	[tilespmem:$0x1C400] =	vst v63  }
0x72: {  	_ =	swait.ge [sflag:s24], $0x4000  }
0x73: {  	[sflag:s24] =	ssyncset.done $0x0  }
0x74: {  	[sflag:s24] =	ssyncadd.s32 $0xFFFFC000  }
0x75: {  	_ =	swait.ge [sflag:s25], $0x100  }
0x76: {  	[sflag:s25] =	ssyncset.done $0x0  }
0x77: {  	[sflag:s25] =	ssyncadd.s32 $0xFFFFFF00  }
0x78: {  	[tilespmem:s23], [sflag:$0x1] =	stream.indirect.gather [hbm4b:s1+s26], $0x80, s5, s26, $0xb8;
	[tilespmem:$0x1C400] =	vst v63  }
0x79: {  	_ =	swait.ge [sflag:s0], $0x4000  }
0x7a: {  	[sflag:s0] =	ssyncset.done $0x0  }
0x7b: {  	[sflag:s0] =	ssyncadd.s32 $0xFFFFC000  }
0x7c: {  	[spmem:s4] =	stream.indirect.scatter.add.f32 [tilespmem:s29], [sflag:$0x7], $0x80, s7, s26, $0xb8;
	[tilespmem:$0x1C400] =	vst v63  }
0x7d: {  	_ =	swait.ge [sflag:s24], $0x4000  }
0x7e: {  	[sflag:s24] =	ssyncset.done $0x0  }
0x7f: {  	[sflag:s24] =	ssyncadd.s32 $0xFFFFC000  }
0x80: {  	s10 =	simm.s32 $0x4;
	s13 =	smin.u32 s11, $0x47;
	_ =	swait.ge [sflag:s28], $0x100  }
0x81: {  	s11 =	smin.u32 s11, $0x46;
	[sflag:s28] =	ssyncset.done $0x0;
	s12 =	rddreg [dreg:$0x5]  }
0x82: {  	s14 =	rddreg [dreg:$0x6];
	[sflag:s28] =	ssyncadd.s32 $0xFFFFFF00;
	s12 =	sadd.s32 s13, s12  }
0x83: {  	[tilespmem:s29], [sflag:$0x2] =	stream.indirect.gather [hbm4b:s1+s26], $0x80, s20, s26, $0xb8;
	[tilespmem:$0x1C400] =	vst v63  }
0x84: {  	s14 =	sadd.s32 s11, s14;
	s11 =	sadd.s32 $0x80, s19;
	s12 =	sshll.u32 s12, $0x5  }
0x85: {  	s14 =	sshll.u32 s14, $0x5;
	s13 =	sadd.s32 s2, s12;
	s12 =	sadd.s32 $0x80, s18  }
.LBB2_4:
0x86: {  	[tilespmem:s21], [sflag:$0x5] =	stream.linear.gather [hbm4b:s13+s5], $0x100, $0x38;
	[tilespmem:$0x1C400] =	vst v63  }
0x87: {  	s14 =	sadd.s32 s2, s14  }
0x88: {  	[tilespmem:s22], [sflag:$0x6] =	stream.linear.gather [hbm4b:s14+s5], $0x100, $0x38;
	[tilespmem:$0x1C400] =	vst v63  }
0x89: {  	_ =	swait.ge [sflag:s30], $0x4000  }
0x8a: {  	[sflag:s30] =	ssyncset.done $0x0  }
0x8b: {  	[sflag:s30] =	ssyncadd.s32 $0xFFFFC000  }
0x8c: {  	[spmem:s4] =	stream.indirect.scatter.add.f32 [tilespmem:s23], [sflag:$0x7], $0x80, s26, s26, $0xb8;
	[tilespmem:$0x1C400] =	vst v63  }
0x8d: {  	_ =	swait.ge [sflag:s24], $0x4000  }
0x8e: {  	[sflag:s24] =	ssyncset.done $0x0  }
0x8f: {  	[sflag:s24] =	ssyncadd.s32 $0xFFFFC000  }
0x90: {  	_ =	swait.ge [sflag:s31], $0x100  }
0x91: {  	[sflag:s31] =	ssyncset.done $0x0  }
0x92: {  	[sflag:s31] =	ssyncadd.s32 $0xFFFFFF00  }
0x93: {  	[tilespmem:s23], [sflag:$0x1] =	stream.indirect.gather [hbm4b:s1+s26], $0x80, s21, s26, $0xb8;
	[tilespmem:$0x1C400] =	vst v63  }
0x94: {  	_ =	swait.ge [sflag:s0], $0x4000  }
0x95: {  	[sflag:s0] =	ssyncset.done $0x0  }
0x96: {  	[sflag:s0] =	ssyncadd.s32 $0xFFFFC000  }
0x97: {  	[spmem:s4] =	stream.indirect.scatter.add.f32 [tilespmem:s29], [sflag:$0x7], $0x80, s3, s26, $0xb8;
	[tilespmem:$0x1C400] =	vst v63  }
0x98: {  	_ =	swait.ge [sflag:s24], $0x4000  }
0x99: {  	[sflag:s24] =	ssyncset.done $0x0  }
0x9a: {  	[sflag:s24] =	ssyncadd.s32 $0xFFFFC000  }
0x9b: {  	_ =	swait.ge [sflag:s6], $0x100  }
0x9c: {  	[sflag:s6] =	ssyncset.done $0x0  }
0x9d: {  	[sflag:s6] =	ssyncadd.s32 $0xFFFFFF00  }
0x9e: {  	[tilespmem:s29], [sflag:$0x2] =	stream.indirect.gather [hbm4b:s1+s26], $0x80, s22, s26, $0xb8;
	[tilespmem:$0x1C400] =	vst v63  }
0x9f: {  	_ = 	snop  }
0xa0: {  	[tilespmem:s5], [sflag:$0x3] =	stream.linear.gather [hbm4b:s11+s5], $0x100, $0x38;
	[tilespmem:$0x1C400] =	vst v63  }
0xa1: {  	_ = 	snop  }
0xa2: {  	[tilespmem:s20], [sflag:$0x4] =	stream.linear.gather [hbm4b:s12+s5], $0x100, $0x38;
	[tilespmem:$0x1C400] =	vst v63  }
0xa3: {  	_ =	swait.ge [sflag:s30], $0x4000  }
0xa4: {  	[sflag:s30] =	ssyncset.done $0x0  }
0xa5: {  	s15 =	rddreg [dreg:$0x7];
	[sflag:s30] =	ssyncadd.s32 $0xFFFFC000  }
0xa6: {  	[spmem:s4] =	stream.indirect.scatter.add.f32 [tilespmem:s23], [sflag:$0x7], $0x80, s15, s26, $0xb8;
	[tilespmem:$0x1C400] =	vst v63  }
0xa7: {  	_ =	swait.ge [sflag:s24], $0x4000  }
0xa8: {  	[sflag:s24] =	ssyncset.done $0x0  }
0xa9: {  	[sflag:s24] =	ssyncadd.s32 $0xFFFFC000  }
0xaa: {  	_ =	swait.ge [sflag:s25], $0x100  }
0xab: {  	[sflag:s25] =	ssyncset.done $0x0  }
0xac: {  	[sflag:s25] =	ssyncadd.s32 $0xFFFFFF00  }
0xad: {  	[tilespmem:s23], [sflag:$0x1] =	stream.indirect.gather [hbm4b:s1+s26], $0x80, s5, s26, $0xb8;
	[tilespmem:$0x1C400] =	vst v63  }
0xae: {  	_ =	swait.ge [sflag:s0], $0x4000  }
0xaf: {  	[sflag:s0] =	ssyncset.done $0x0  }
0xb0: {  	[sflag:s0] =	ssyncadd.s32 $0xFFFFC000  }
0xb1: {  	[spmem:s4] =	stream.indirect.scatter.add.f32 [tilespmem:s29], [sflag:$0x7], $0x80, s7, s26, $0xb8;
	[tilespmem:$0x1C400] =	vst v63  }
0xb2: {  	_ =	swait.ge [sflag:s24], $0x4000  }
0xb3: {  	s13 =	smov.u32 s10;
	[sflag:s24] =	ssyncset.done $0x0  }
0xb4: {  	p1 =	sne.s32 s10, $0x48;
	s10 =	sadd.s32 $0x4, s10;
	[sflag:s24] =	ssyncadd.s32 $0xFFFFC000  }
0xb5: {  	s14 =	smin.u32 s13, $0x47;
	s13 =	smin.u32 s13, $0x46;
	_ =	swait.ge [sflag:s28], $0x100  }
.Ltmp1:
0xb6: {  	[sflag:s28] =	ssyncset.done $0x0;
	s15 =	rddreg [dreg:$0x5];
	(pc) =	sbr.rel @p1 .LBB2_4-.Ltmp1, $4  }
0xb7: {  	s16 =	rddreg [dreg:$0x6];
	[sflag:s28] =	ssyncadd.s32 $0xFFFFFF00;
	s14 =	sadd.s32 s14, s15  }
0xb8: {  	[tilespmem:s29], [sflag:$0x2] =	stream.indirect.gather [hbm4b:s1+s26], $0x80, s20, s26, $0xb8;
	[tilespmem:$0x1C400] =	vst v63  }
0xb9: {  	s11 =	sadd.s32 $0x80, s11;
	s16 =	sadd.s32 s13, s16;
	s14 =	sshll.u32 s14, $0x5  }
0xba: {  	s12 =	sadd.s32 $0x80, s12;
	s13 =	sadd.s32 s2, s14;
	s14 =	sshll.u32 s16, $0x5  }
0xbb: {  	[tilespmem:s21], [sflag:$0x5] =	stream.linear.gather [hbm4b:s13+s5], $0x100, $0x38;
	[tilespmem:$0x1C400] =	vst v63  }
0xbc: {  	s10 =	sadd.s32 s2, s14  }
0xbd: {  	[tilespmem:s22], [sflag:$0x6] =	stream.linear.gather [hbm4b:s10+s5], $0x100, $0x38;
	[tilespmem:$0x1C400] =	vst v63  }
0xbe: {  	_ =	swait.ge [sflag:s30], $0x4000  }
0xbf: {  	[sflag:s30] =	ssyncset.done $0x0  }
0xc0: {  	[sflag:s30] =	ssyncadd.s32 $0xFFFFC000  }
0xc1: {  	[spmem:s4] =	stream.indirect.scatter.add.f32 [tilespmem:s23], [sflag:$0x7], $0x80, s26, s26, $0xb8;
	[tilespmem:$0x1C400] =	vst v63  }
0xc2: {  	_ =	swait.ge [sflag:s24], $0x4000  }
0xc3: {  	[sflag:s24] =	ssyncset.done $0x0  }
0xc4: {  	[sflag:s24] =	ssyncadd.s32 $0xFFFFC000  }
0xc5: {  	_ =	swait.ge [sflag:s0], $0x4000  }
0xc6: {  	[sflag:s0] =	ssyncset.done $0x0  }
0xc7: {  	[sflag:s0] =	ssyncadd.s32 $0xFFFFC000  }
0xc8: {  	[spmem:s4] =	stream.indirect.scatter.add.f32 [tilespmem:s29], [sflag:$0x7], $0x80, s3, s26, $0xb8;
	[tilespmem:$0x1C400] =	vst v63  }
0xc9: {  	_ =	swait.ge [sflag:s24], $0x4000  }
0xca: {  	[sflag:s24] =	ssyncset.done $0x0  }
0xcb: {  	[sflag:s24] =	ssyncadd.s32 $0xFFFFC000  }
0xcc: {  	_ =	swait.ge [sflag:s31], $0x100  }
0xcd: {  	[sflag:s31] =	ssyncset.done $0x0  }
0xce: {  	[sflag:s31] =	ssyncadd.s32 $0xFFFFFF00  }
0xcf: {  	_ =	swait.ge [sflag:s6], $0x100  }
0xd0: {  	s11 =	simm.s32 @!p0 $0x200;
	[sflag:s6] =	ssyncset.done $0x0  }
0xd1: {  	s10 =	simm.s32 @!p0 $0x0;
	s12 =	rddreg [dreg:$0x10];
	[sflag:s6] =	ssyncadd.s32 $0xFFFFFF00  }
0xd2: {  	[tilespmem:s11], [sflag:$0x7] =	stream.linear.gather @!p0 [hbm4b:s12+s10], $0x100, $0x38;
	[tilespmem:$0x1C400] =	vst v63  }
0xd3: {  	s10 =	simm.s32 @!p0 $0x7  }
0xd4: {  	_ =	swait.ge @!p0 [sflag:s10], $0x100  }
0xd5: {  	[sflag:s10] =	ssyncset.done @!p0 $0x0  }
0xd6: {  	s13 =	simm.s32 @!p0 $0x400;
	s12 =	simm.s32 @!p0 $0x80;
	[sflag:s10] =	ssyncadd.s32 @!p0 $0xFFFFFF00  }
0xd7: {  	[tilespmem:s13], [sflag:$0x7] =	stream.indirect.gather @!p0 [hbm4b:s1+s12], $0x80, s11, s12, $0xb8;
	[tilespmem:$0x1C400] =	vst v63  }
0xd8: {  	_ =	swait.ge @!p0 [sflag:s10], $0x4000  }
0xd9: {  	[sflag:s10] =	ssyncset.done @!p0 $0x0  }
0xda: {  	s11 =	simm.s32 @!p0 $0x280;
	[sflag:s10] =	ssyncadd.s32 @!p0 $0xFFFFC000  }
0xdb: {  	[spmem:s4] =	stream.indirect.scatter.add.f32 @!p0 [tilespmem:s13], [sflag:$0x7], $0x80, s11, s12, $0xb8;
	[tilespmem:$0x1C400] =	vst v63  }
0xdc: {  	_ =	swait.ge @!p0 [sflag:s10], $0x4000  }
0xdd: {  	s14 =	stileid.u32;
	[sflag:s10] =	ssyncset.done @!p0 $0x0  }
0xde: {  	s15 =	sshrl.u32 s9, $0x3;
	s8 =	sadd.s32 $0x1, s8;
	[sflag:s10] =	ssyncadd.s32 @!p0 $0xFFFFC000  }
0xdf: {  	p1 =	sne.s32 s8, s17;
	s10 =	sshll.u32 s14, $0x6;
	[bflag:$0x0] =	sbarrier.arrive $0xFFFF  }
.Ltmp2:
0xe0: {  	s10 =	sor.u32 $0x1C07, s10;
	s16 =	rddreg [dreg:$0x11];
	(pc) =	sbr.rel @p1 .LBB2_1-.Ltmp2, $4  }
0xe1: {  	[hbm:s16], [sflag:s10] =	dma.local [spmem:s15], $0x2800  }
0xe2: {  	_ =	swait.ge [sflag:s24], $0x2800  }
0xe3: {  	[sflag:s24] =	ssyncset.done $0x0  }
0xe4: {  	[sflag:s24] =	ssyncadd.s32 $0xFFFFD800  }
0xe5: {  	_ =	sfence.sel $0x180000  }
0xe6: {  	[bflag:$0x0] =	sbarrier.arrive $0xFFFF  }
0xe7: {  	_ =	strace $0x9000004A  }
0xe8: {  	s0 =	stileid.u32;
	[bflag:$0x2] =	sbarrier.arrive $0xFFFF  }
0xe9: {  	p0 =	sne.s32 s0, $0x0;
	s0 =	rddreg [dreg:$0x4]  }
0xea: {  	s0 =	sadd.s32 @!p0 $0x100000, s0  }
0xeb: {  	[sflag:s0] =	ssyncadd.tile.s32 @!p0 $0x1;
	_ =	shalt  }
.Lfunc_end2:
_tile_overlayer_lowered:
.L_overlay_start_2:
0xec: {  	(tag) =	ssettag $0x2  }
0xed: {  	s0 =	rddreg [dreg:$0x0];
	s2 =	stileid.u32  }
0xee: {  	s1 =	rddreg [dreg:$0x1];
	p0 =	sne.s32 s2, $0x0  }
0xef: {  	s3 =	rddreg [dreg:$0x2];
	[bflag:$0x3] =	sbarrier.arrive $0xFFFF;
	s2 =	simm.s32 @!p0 $0x1C07  }
0xf0: {  	[timem:s3], [sflag:s2] =	dma.local @!p0 [hbm:s0], s1  }
0xf1: {  	s0 =	simm.s32 @!p0 $0x7  }
0xf2: {  	_ =	swait.ge @!p0 [sflag:s0], s1  }
0xf3: {  	s1 =	ssub.s32 @!p0 $0x0, s1;
	[sflag:s0] =	ssyncset.done @!p0 $0x0  }
0xf4: {  	[sflag:s0] =	ssyncadd.s32 @!p0 s1  }
0xf5: {  	[bflag:$0x3] =	sbarrier.arrive $0xFFFF  }
0xf6: {  	_ =	shalt  }

</sc_bundles>
